<compile_context>
chip_gen: v7x
topology: tpu7x:2x2x1
jax: 0.10.2.dev20260603
libtpu: 0.0.44.dev20260713+nightly
codegen_flags: <defaults>
</compile_context>

<pallas_src>
import functools

import jax
import jax.numpy as jnp
from jax import lax
from jax.experimental import pallas as pl
from jax.experimental.pallas import tpu as pltpu
from jax.experimental.pallas import tpu_sc as plsc

_NUM_FIELDS = 26
_VOCAB = 100000
_EMBED_DIM = 32
_NUM_NUMERICAL = 13
_LANES = 128
_SUB = 32
_LINES_PER_VOCAB = _VOCAB // 4


def _build(batch):
    info = plsc.get_sparse_core_info()
    n_workers = info.num_cores * info.num_subcores
    b_per_w = batch // n_workers
    n_chunks = b_per_w // _LANES
    out_d = _NUM_NUMERICAL + _NUM_FIELDS * _EMBED_DIM
    mesh = plsc.VectorSubcoreMesh(core_axis_name="c", subcore_axis_name="s")

    @functools.partial(
        pl.kernel,
        mesh=mesh,
        out_type=jax.ShapeDtypeStruct((out_d, batch), jnp.float32),
        compiler_params=pltpu.CompilerParams(
            needs_layout_passes=False, disable_bounds_checks=True),
        scratch_types=[
            pltpu.VMEM((_NUM_FIELDS, _LANES), jnp.int32),
            pltpu.VMEM((_NUM_NUMERICAL, _LANES), jnp.float32),
            pltpu.VMEM((_SUB,), jnp.int32),
            pltpu.VMEM((_SUB,), jnp.int32),
            pltpu.VMEM((_SUB, 128), jnp.float32),
            pltpu.VMEM((_SUB, 128), jnp.float32),
            pltpu.VMEM((out_d, _LANES), jnp.float32),
            pltpu.SemaphoreType.DMA,
            pltpu.SemaphoreType.DMA,
            pltpu.SemaphoreType.DMA,
        ],
    )
    def flattener(num_hbm, idx_hbm, tab_hbm, out_hbm, rawc, nstg,
                  jbuf0, jbuf1, stg0, stg1, asm, gsem0, gsem1, wsem):
        jbufs = (jbuf0, jbuf1)
        stgs = (stg0, stg1)
        gsems = (gsem0, gsem1)
        wid = lax.axis_index("s") * info.num_cores + lax.axis_index("c")
        lane_base = wid * b_per_w
        iota = lax.iota(jnp.int32, 16)
        n_sub = _LANES // _SUB

        def codes(f, s, g):
            return rawc[f, pl.ds(_SUB * s + 16 * g, 16)]

        def gather_start(f, s):
            b = s % 2
            line_base = f * _LINES_PER_VOCAB
            for g in range(_SUB // 16):
                jbufs[b][pl.ds(16 * g, 16)] = (
                    lax.shift_right_logical(codes(f, s, g), 2) + line_base)
            return pltpu.async_copy(tab_hbm.at[jbufs[b]], stgs[b], gsems[b])

        def gather_wait(b):
            pltpu.make_async_copy(
                tab_hbm.at[pl.ds(0, _SUB), :], stgs[b], gsems[b]).wait()

        def fixup(f, s, b):
            row0 = _NUM_NUMERICAL + f * _EMBED_DIM
            for g in range(_SUB // 16):
                rows = iota + 16 * g
                s_off = lax.shift_left(lax.bitwise_and(codes(f, s, g), 3), 5)

                @plsc.parallel_loop(0, _EMBED_DIM, step=1, unroll=8)
                def _(d):
                    vals = plsc.load_gather(stgs[b], [rows, s_off + d])
                    asm[row0 + d, pl.ds(_SUB * s + 16 * g, 16)] = vals

        def write_wait():
            pltpu.make_async_copy(
                asm, out_hbm.at[:, pl.ds(0, _LANES)], wsem).wait()

        @pl.loop(0, n_chunks)
        def _(c):
            lane0 = pl.multiple_of(lane_base + c * _LANES, _LANES)
            pltpu.sync_copy(idx_hbm.at[:, pl.ds(lane0, _LANES)], rawc)
            pltpu.sync_copy(num_hbm.at[:, pl.ds(lane0, _LANES)], nstg)

            @pl.when(c >= 1)
            def _():
                write_wait()

            for d in range(_NUM_NUMERICAL):
                for g in range(_LANES // 16):
                    asm[d, pl.ds(16 * g, 16)] = nstg[d, pl.ds(16 * g, 16)]

            gather_start(0, 0)
            gather_start(0, 1)

            @pl.loop(0, _NUM_FIELDS)
            def _(f):
                for s in range(n_sub):
                    b = s % 2
                    gather_wait(b)
                    fixup(f, s, b)
                    if s + 2 < n_sub:
                        gather_start(f, s + 2)
                    else:
                        @pl.when(f + 1 < _NUM_FIELDS)
                        def _():
                            gather_start(f + 1, s + 2 - n_sub)

            pltpu.async_copy(asm, out_hbm.at[:, pl.ds(lane0, _LANES)], wsem)

        write_wait()

    return flattener


def kernel(numerical, cat_indices, tables):
    batch = numerical.shape[0]
    tab_lines = tables.reshape(_NUM_FIELDS * _LINES_PER_VOCAB, 128)
    idx_t = cat_indices.astype(jnp.int32).T
    num_t = numerical.T
    out_t = _build(batch)(num_t, idx_t, tab_lines)
    return out_t.T

# --- scband reference (transcript-rebuilt; emitter-appended) ---
"""Pipeline reference for scband-standard-feature-flattener-18906446037738 (READ-ONLY COPY).

The authoritative reference and input builder live on the scoring server;
editing this copy changes nothing except your own understanding.
"""

import jax, jax.numpy as jnp
import numpy as np

NUM_FIELDS = 26
VOCAB = 100000
EMBED_DIM = 32
BATCH = 16384
NUM_NUMERICAL = 13


def setup_inputs(seed: int = 0) -> dict:
    key = jax.random.key(seed)
    k1, k2, k3 = jax.random.split(key, 3)
    numerical = jax.random.normal(k1, (BATCH, NUM_NUMERICAL), dtype=jnp.float32)
    cat_indices = jax.random.randint(k2, (BATCH, NUM_FIELDS), 0, VOCAB, dtype=jnp.int64 if jax.config.jax_enable_x64 else jnp.int32)
    # Learned embedding tables, one per categorical feature (stacked).
    tables = jax.random.normal(k3, (NUM_FIELDS, VOCAB, EMBED_DIM), dtype=jnp.float32) * 0.01
    return {"numerical": numerical, "cat_indices": cat_indices, "tables": tables}


def reference(numerical, cat_indices, tables):
    # StandardFeatureFlattener: numerical/boolean features are passed through
    # (expanded to rank 2), categorical features are embedded via per-feature
    # nn.Embed tables, then everything is concatenated on axis=1 as float32.
    def ensure_shape2(v):
        if v.ndim == 1:
            v = jnp.expand_dims(v, axis=1)
        return v

    input_layer = [ensure_shape2(numerical)]
    for f in range(NUM_FIELDS):
        emb = jnp.take(tables[f], cat_indices[:, f], axis=0)
        input_layer.append(emb)
    return jnp.concatenate(input_layer, axis=1).astype(jnp.float32)

if __name__ == "__main__":
    import jax
    _d = setup_inputs()
    print(jax.jit(kernel)(*tuple(_d.values())))

</pallas_src>

<mosaic_0001>
#map = affine_map<(d0, d1) -> (0, 0)>
module attributes {stable_mosaic.version = 14 : i64} {
  func.func @flattener(%arg0: i32, %arg1: i32, %arg2: memref<13x16384xf32, #tpu.memory_space<hbm>>, %arg3: memref<26x16384xi32, #tpu.memory_space<hbm>>, %arg4: memref<650000x128xf32, #tpu.memory_space<hbm>>, %arg5: memref<845x16384xf32, #tpu.memory_space<hbm>>, %arg6: memref<26x128xi32, #tpu.memory_space<vmem>>, %arg7: memref<13x128xf32, #tpu.memory_space<vmem>>, %arg8: memref<32xi32, #tpu.memory_space<vmem>>, %arg9: memref<32xi32, #tpu.memory_space<vmem>>, %arg10: memref<32x128xf32, #tpu.memory_space<vmem>>, %arg11: memref<32x128xf32, #tpu.memory_space<vmem>>, %arg12: memref<845x128xf32, #tpu.memory_space<vmem>>, %arg13: memref<!tpu.dma_semaphore, #tpu.memory_space<semaphore_mem>>, %arg14: memref<!tpu.dma_semaphore, #tpu.memory_space<semaphore_mem>>, %arg15: memref<!tpu.dma_semaphore, #tpu.memory_space<semaphore_mem>>) attributes {dimension_semantics = [#tpu.dimension_semantics<core_parallel>, #tpu.dimension_semantics<subcore_parallel>], iteration_bounds = array<i64: 2, 16>, scalar_prefetch = 0 : i64, scratch_operands = 10 : i64, tpu.core_type = #tpu.core_type<sc_vector_subcore>, window_params = [{transform_indices = #map}, {transform_indices = #map}, {transform_indices = #map}, {transform_indices = #map}]} {
    %mul3A = arith.constant 2 : i32
    %mul3A_0 = arith.muli %arg1, %mul3A : i32
    %add3A = arith.addi %mul3A_0, %arg0 : i32
    %mul3A_1 = arith.constant 512 : i32
    %mul3A_2 = arith.muli %add3A, %mul3A_1 : i32
    %iota3A = tpu.iota {dimensions = array<i32: 0>} : vector<16xi32>
    %scan3A = arith.constant 0 : i32
    %scan3A_3 = arith.constant 4 : i32
    %scan3A_4 = arith.addi %scan3A, %scan3A_3 : i32
    %scan3A_5 = arith.constant 1 : i32
    scf.for %scan3A_12 = %scan3A to %scan3A_4 step %scan3A_5  : i32 {
      %mul3A_13 = arith.constant 1 : i32
      %mul3A_14 = arith.muli %scan3A_12, %mul3A_13 : i32
      %add3A_15 = arith.constant 0 : i32
      %add3A_16 = arith.addi %add3A_15, %mul3A_14 : i32
      %mul3A_17 = arith.constant 128 : i32
      %mul3A_18 = arith.muli %add3A_16, %mul3A_17 : i32
      %add3A_19 = arith.addi %mul3A_2, %mul3A_18 : i32
      %multiple_of3A = tpu.assume_multiple %add3A_19, 128 : i32
      "tpu.region"() ({
        %run_scoped3A = tpu.sem_alloc : memref<!tpu.dma_semaphore, #tpu.memory_space<semaphore_mem>>
        %dma_start3A_913 = arith.constant 0 : i32
        %dma_start3A_914 = tpu.memref_slice %arg3[%dma_start3A_913, %multiple_of3A] : memref<26x16384xi32, #tpu.memory_space<hbm>> -> memref<26x128xi32, #tpu.memory_space<hbm>>
        %dma_start3A_915 = arith.constant 0 : i32
        %dma_start3A_916 = tpu.memref_slice %arg3[%dma_start3A_915, %multiple_of3A] : memref<26x16384xi32, #tpu.memory_space<hbm>> -> memref<26x128xi32, #tpu.memory_space<hbm>>
        tpu.enqueue_dma source(%dma_start3A_916 : memref<26x128xi32, #tpu.memory_space<hbm>>) target(%arg6 : memref<26x128xi32, #tpu.memory_space<vmem>>) target_semaphore(%run_scoped3A : memref<!tpu.dma_semaphore, #tpu.memory_space<semaphore_mem>>)
        %dma_wait3A_917 = arith.constant 0 : i32
        %dma_wait3A_918 = tpu.memref_slice %arg3[%dma_wait3A_917, %multiple_of3A] : memref<26x16384xi32, #tpu.memory_space<hbm>> -> memref<26x128xi32, #tpu.memory_space<hbm>>
        %dma_wait3A_919 = arith.constant 0 : i32
        %dma_wait3A_920 = tpu.memref_slice %arg3[%dma_wait3A_919, %multiple_of3A] : memref<26x16384xi32, #tpu.memory_space<hbm>> -> memref<26x128xi32, #tpu.memory_space<hbm>>
        tpu.wait_dma2 semaphore(%run_scoped3A : memref<!tpu.dma_semaphore, #tpu.memory_space<semaphore_mem>>) src(%dma_wait3A_920 : memref<26x128xi32, #tpu.memory_space<hbm>>) dst(%arg6 : memref<26x128xi32, #tpu.memory_space<vmem>>)
        tpu.yield
      }) : () -> ()
      "tpu.region"() ({
        %run_scoped3A = tpu.sem_alloc : memref<!tpu.dma_semaphore, #tpu.memory_space<semaphore_mem>>
        %dma_start3A_913 = arith.constant 0 : i32
        %dma_start3A_914 = tpu.memref_slice %arg2[%dma_start3A_913, %multiple_of3A] : memref<13x16384xf32, #tpu.memory_space<hbm>> -> memref<13x128xf32, #tpu.memory_space<hbm>>
        %dma_start3A_915 = arith.constant 0 : i32
        %dma_start3A_916 = tpu.memref_slice %arg2[%dma_start3A_915, %multiple_of3A] : memref<13x16384xf32, #tpu.memory_space<hbm>> -> memref<13x128xf32, #tpu.memory_space<hbm>>
        tpu.enqueue_dma source(%dma_start3A_916 : memref<13x128xf32, #tpu.memory_space<hbm>>) target(%arg7 : memref<13x128xf32, #tpu.memory_space<vmem>>) target_semaphore(%run_scoped3A : memref<!tpu.dma_semaphore, #tpu.memory_space<semaphore_mem>>)
        %dma_wait3A_917 = arith.constant 0 : i32
        %dma_wait3A_918 = tpu.memref_slice %arg2[%dma_wait3A_917, %multiple_of3A] : memref<13x16384xf32, #tpu.memory_space<hbm>> -> memref<13x128xf32, #tpu.memory_space<hbm>>
        %dma_wait3A_919 = arith.constant 0 : i32
        %dma_wait3A_920 = tpu.memref_slice %arg2[%dma_wait3A_919, %multiple_of3A] : memref<13x16384xf32, #tpu.memory_space<hbm>> -> memref<13x128xf32, #tpu.memory_space<hbm>>
        tpu.wait_dma2 semaphore(%run_scoped3A : memref<!tpu.dma_semaphore, #tpu.memory_space<semaphore_mem>>) src(%dma_wait3A_920 : memref<13x128xf32, #tpu.memory_space<hbm>>) dst(%arg7 : memref<13x128xf32, #tpu.memory_space<vmem>>)
        tpu.yield
      }) : () -> ()
      %ge3A = arith.constant 1 : i32
      %ge3A_20 = arith.cmpi sge, %add3A_16, %ge3A : i32
      %convert_element_type3A = arith.extui %ge3A_20 : i1 to i32
      %cond3A = arith.constant 0 : i32
      %cond3A_21 = arith.cmpi ne, %convert_element_type3A, %cond3A : i32
      scf.if %cond3A_21 {
        %dma_wait3A_913 = arith.constant 0 : i32
        %dma_wait3A_914 = arith.constant 0 : i32
        %dma_wait3A_915 = tpu.memref_slice %arg5[%dma_wait3A_913, %dma_wait3A_914] : memref<845x16384xf32, #tpu.memory_space<hbm>> -> memref<845x128xf32, #tpu.memory_space<hbm>>
        %dma_wait3A_916 = arith.constant 0 : i32
        %dma_wait3A_917 = arith.constant 0 : i32
        %dma_wait3A_918 = tpu.memref_slice %arg5[%dma_wait3A_916, %dma_wait3A_917] : memref<845x16384xf32, #tpu.memory_space<hbm>> -> memref<845x128xf32, #tpu.memory_space<hbm>>
        tpu.wait_dma2 semaphore(%arg15 : memref<!tpu.dma_semaphore, #tpu.memory_space<semaphore_mem>>) src(%arg12 : memref<845x128xf32, #tpu.memory_space<vmem>>) dst(%dma_wait3A_918 : memref<845x128xf32, #tpu.memory_space<hbm>>)
      } else {
      }
      %get3A = arith.constant 0 : i32
      %get3A_22 = arith.index_cast %get3A : i32 to index
      %get3A_23 = arith.constant 0 : index
      %get3A_24 = tpu.vector_load %arg7[%get3A_22, %get3A_23] {strides = array<i32>} : memref<13x128xf32, #tpu.memory_space<vmem>>, vector<16xf32>,
      %swap3A = arith.constant 0 : i32
      %swap3A_25 = arith.index_cast %swap3A : i32 to index
      %swap3A_26 = arith.constant 0 : index
      %swap3A_27 = tpu.vector_load %arg12[%swap3A_25, %swap3A_26] {strides = array<i32>} : memref<845x128xf32, #tpu.memory_space<vmem>>, vector<16xf32>,
      tpu.vector_store %arg12[%swap3A_25, %swap3A_26], %get3A_24 {strides = array<i32>} : memref<845x128xf32, #tpu.memory_space<vmem>>, vector<16xf32>,
      %get3A_28 = arith.constant 0 : i32
      %get3A_29 = arith.index_cast %get3A_28 : i32 to index
      %get3A_30 = arith.constant 16 : index
      %get3A_31 = tpu.vector_load %arg7[%get3A_29, %get3A_30] {strides = array<i32>} : memref<13x128xf32, #tpu.memory_space<vmem>>, vector<16xf32>,
      %swap3A_32 = arith.constant 0 : i32
      %swap3A_33 = arith.index_cast %swap3A_32 : i32 to index
      %swap3A_34 = arith.constant 16 : index
      %swap3A_35 = tpu.vector_load %arg12[%swap3A_33, %swap3A_34] {strides = array<i32>} : memref<845x128xf32, #tpu.memory_space<vmem>>, vector<16xf32>,
      tpu.vector_store %arg12[%swap3A_33, %swap3A_34], %get3A_31 {strides = array<i32>} : memref<845x128xf32, #tpu.memory_space<vmem>>, vector<16xf32>,
      %get3A_36 = arith.constant 0 : i32
      %get3A_37 = arith.index_cast %get3A_36 : i32 to index
      %get3A_38 = arith.constant 32 : index
      %get3A_39 = tpu.vector_load %arg7[%get3A_37, %get3A_38] {strides = array<i32>} : memref<13x128xf32, #tpu.memory_space<vmem>>, vector<16xf32>,
      %swap3A_40 = arith.constant 0 : i32
      %swap3A_41 = arith.index_cast %swap3A_40 : i32 to index
      %swap3A_42 = arith.constant 32 : index
      %swap3A_43 = tpu.vector_load %arg12[%swap3A_41, %swap3A_42] {strides = array<i32>} : memref<845x128xf32, #tpu.memory_space<vmem>>, vector<16xf32>,
      tpu.vector_store %arg12[%swap3A_41, %swap3A_42], %get3A_39 {strides = array<i32>} : memref<845x128xf32, #tpu.memory_space<vmem>>, vector<16xf32>,
      %get3A_44 = arith.constant 0 : i32
      %get3A_45 = arith.index_cast %get3A_44 : i32 to index
      %get3A_46 = arith.constant 48 : index
      %get3A_47 = tpu.vector_load %arg7[%get3A_45, %get3A_46] {strides = array<i32>} : memref<13x128xf32, #tpu.memory_space<vmem>>, vector<16xf32>,
      %swap3A_48 = arith.constant 0 : i32
      %swap3A_49 = arith.index_cast %swap3A_48 : i32 to index
      %swap3A_50 = arith.constant 48 : index
      %swap3A_51 = tpu.vector_load %arg12[%swap3A_49, %swap3A_50] {strides = array<i32>} : memref<845x128xf32, #tpu.memory_space<vmem>>, vector<16xf32>,
      tpu.vector_store %arg12[%swap3A_49, %swap3A_50], %get3A_47 {strides = array<i32>} : memref<845x128xf32, #tpu.memory_space<vmem>>, vector<16xf32>,
      %get3A_52 = arith.constant 0 : i32
      %get3A_53 = arith.index_cast %get3A_52 : i32 to index
      %get3A_54 = arith.constant 64 : index
      %get3A_55 = tpu.vector_load %arg7[%get3A_53, %get3A_54] {strides = array<i32>} : memref<13x128xf32, #tpu.memory_space<vmem>>, vector<16xf32>,
      %swap3A_56 = arith.constant 0 : i32
      %swap3A_57 = arith.index_cast %swap3A_56 : i32 to index
      %swap3A_58 = arith.constant 64 : index
      %swap3A_59 = tpu.vector_load %arg12[%swap3A_57, %swap3A_58] {strides = array<i32>} : memref<845x128xf32, #tpu.memory_space<vmem>>, vector<16xf32>,
      tpu.vector_store %arg12[%swap3A_57, %swap3A_58], %get3A_55 {strides = array<i32>} : memref<845x128xf32, #tpu.memory_space<vmem>>, vector<16xf32>,
      %get3A_60 = arith.constant 0 : i32
      %get3A_61 = arith.index_cast %get3A_60 : i32 to index
      %get3A_62 = arith.constant 80 : index
      %get3A_63 = tpu.vector_load %arg7[%get3A_61, %get3A_62] {strides = array<i32>} : memref<13x128xf32, #tpu.memory_space<vmem>>, vector<16xf32>,
      %swap3A_64 = arith.constant 0 : i32
      %swap3A_65 = arith.index_cast %swap3A_64 : i32 to index
      %swap3A_66 = arith.constant 80 : index
      %swap3A_67 = tpu.vector_load %arg12[%swap3A_65, %swap3A_66] {strides = array<i32>} : memref<845x128xf32, #tpu.memory_space<vmem>>, vector<16xf32>,
      tpu.vector_store %arg12[%swap3A_65, %swap3A_66], %get3A_63 {strides = array<i32>} : memref<845x128xf32, #tpu.memory_space<vmem>>, vector<16xf32>,
      %get3A_68 = arith.constant 0 : i32
      %get3A_69 = arith.index_cast %get3A_68 : i32 to index
      %get3A_70 = arith.constant 96 : index
      %get3A_71 = tpu.vector_load %arg7[%get3A_69, %get3A_70] {strides = array<i32>} : memref<13x128xf32, #tpu.memory_space<vmem>>, vector<16xf32>,
      %swap3A_72 = arith.constant 0 : i32
      %swap3A_73 = arith.index_cast %swap3A_72 : i32 to index
      %swap3A_74 = arith.constant 96 : index
      %swap3A_75 = tpu.vector_load %arg12[%swap3A_73, %swap3A_74] {strides = array<i32>} : memref<845x128xf32, #tpu.memory_space<vmem>>, vector<16xf32>,
      tpu.vector_store %arg12[%swap3A_73, %swap3A_74], %get3A_71 {strides = array<i32>} : memref<845x128xf32, #tpu.memory_space<vmem>>, vector<16xf32>,
      %get3A_76 = arith.constant 0 : i32
      %get3A_77 = arith.index_cast %get3A_76 : i32 to index
      %get3A_78 = arith.constant 112 : index
      %get3A_79 = tpu.vector_load %arg7[%get3A_77, %get3A_78] {strides = array<i32>} : memref<13x128xf32, #tpu.memory_space<vmem>>, vector<16xf32>,
      %swap3A_80 = arith.constant 0 : i32
      %swap3A_81 = arith.index_cast %swap3A_80 : i32 to index
      %swap3A_82 = arith.constant 112 : index
      %swap3A_83 = tpu.vector_load %arg12[%swap3A_81, %swap3A_82] {strides = array<i32>} : memref<845x128xf32, #tpu.memory_space<vmem>>, vector<16xf32>,
      tpu.vector_store %arg12[%swap3A_81, %swap3A_82], %get3A_79 {strides = array<i32>} : memref<845x128xf32, #tpu.memory_space<vmem>>, vector<16xf32>,
      %get3A_84 = arith.constant 1 : i32
      %get3A_85 = arith.index_cast %get3A_84 : i32 to index
      %get3A_86 = arith.constant 0 : index
      %get3A_87 = tpu.vector_load %arg7[%get3A_85, %get3A_86] {strides = array<i32>} : memref<13x128xf32, #tpu.memory_space<vmem>>, vector<16xf32>,
      %swap3A_88 = arith.constant 1 : i32
      %swap3A_89 = arith.index_cast %swap3A_88 : i32 to index
      %swap3A_90 = arith.constant 0 : index
      %swap3A_91 = tpu.vector_load %arg12[%swap3A_89, %swap3A_90] {strides = array<i32>} : memref<845x128xf32, #tpu.memory_space<vmem>>, vector<16xf32>,
      tpu.vector_store %arg12[%swap3A_89, %swap3A_90], %get3A_87 {strides = array<i32>} : memref<845x128xf32, #tpu.memory_space<vmem>>, vector<16xf32>,
      %get3A_92 = arith.constant 1 : i32
      %get3A_93 = arith.index_cast %get3A_92 : i32 to index
      %get3A_94 = arith.constant 16 : index
      %get3A_95 = tpu.vector_load %arg7[%get3A_93, %get3A_94] {strides = array<i32>} : memref<13x128xf32, #tpu.memory_space<vmem>>, vector<16xf32>,
      %swap3A_96 = arith.constant 1 : i32
      %swap3A_97 = arith.index_cast %swap3A_96 : i32 to index
      %swap3A_98 = arith.constant 16 : index
      %swap3A_99 = tpu.vector_load %arg12[%swap3A_97, %swap3A_98] {strides = array<i32>} : memref<845x128xf32, #tpu.memory_space<vmem>>, vector<16xf32>,
      tpu.vector_store %arg12[%swap3A_97, %swap3A_98], %get3A_95 {strides = array<i32>} : memref<845x128xf32, #tpu.memory_space<vmem>>, vector<16xf32>,
      %get3A_100 = arith.constant 1 : i32
      %get3A_101 = arith.index_cast %get3A_100 : i32 to index
      %get3A_102 = arith.constant 32 : index
      %get3A_103 = tpu.vector_load %arg7[%get3A_101, %get3A_102] {strides = array<i32>} : memref<13x128xf32, #tpu.memory_space<vmem>>, vector<16xf32>,
      %swap3A_104 = arith.constant 1 : i32
      %swap3A_105 = arith.index_cast %swap3A_104 : i32 to index
      %swap3A_106 = arith.constant 32 : index
      %swap3A_107 = tpu.vector_load %arg12[%swap3A_105, %swap3A_106] {strides = array<i32>} : memref<845x128xf32, #tpu.memory_space<vmem>>, vector<16xf32>,
      tpu.vector_store %arg12[%swap3A_105, %swap3A_106], %get3A_103 {strides = array<i32>} : memref<845x128xf32, #tpu.memory_space<vmem>>, vector<16xf32>,
      %get3A_108 = arith.constant 1 : i32
      %get3A_109 = arith.index_cast %get3A_108 : i32 to index
      %get3A_110 = arith.constant 48 : index
      %get3A_111 = tpu.vector_load %arg7[%get3A_109, %get3A_110] {strides = array<i32>} : memref<13x128xf32, #tpu.memory_space<vmem>>, vector<16xf32>,
      %swap3A_112 = arith.constant 1 : i32
      %swap3A_113 = arith.index_cast %swap3A_112 : i32 to index
      %swap3A_114 = arith.constant 48 : index
      %swap3A_115 = tpu.vector_load %arg12[%swap3A_113, %swap3A_114] {strides = array<i32>} : memref<845x128xf32, #tpu.memory_space<vmem>>, vector<16xf32>,
      tpu.vector_store %arg12[%swap3A_113, %swap3A_114], %get3A_111 {strides = array<i32>} : memref<845x128xf32, #tpu.memory_space<vmem>>, vector<16xf32>,
      %get3A_116 = arith.constant 1 : i32
      %get3A_117 = arith.index_cast %get3A_116 : i32 to index
      %get3A_118 = arith.constant 64 : index
      %get3A_119 = tpu.vector_load %arg7[%get3A_117, %get3A_118] {strides = array<i32>} : memref<13x128xf32, #tpu.memory_space<vmem>>, vector<16xf32>,
      %swap3A_120 = arith.constant 1 : i32
      %swap3A_121 = arith.index_cast %swap3A_120 : i32 to index
      %swap3A_122 = arith.constant 64 : index
      %swap3A_123 = tpu.vector_load %arg12[%swap3A_121, %swap3A_122] {strides = array<i32>} : memref<845x128xf32, #tpu.memory_space<vmem>>, vector<16xf32>,
      tpu.vector_store %arg12[%swap3A_121, %swap3A_122], %get3A_119 {strides = array<i32>} : memref<845x128xf32, #tpu.memory_space<vmem>>, vector<16xf32>,
      %get3A_124 = arith.constant 1 : i32
      %get3A_125 = arith.index_cast %get3A_124 : i32 to index
      %get3A_126 = arith.constant 80 : index
      %get3A_127 = tpu.vector_load %arg7[%get3A_125, %get3A_126] {strides = array<i32>} : memref<13x128xf32, #tpu.memory_space<vmem>>, vector<16xf32>,
      %swap3A_128 = arith.constant 1 : i32
      %swap3A_129 = arith.index_cast %swap3A_128 : i32 to index
      %swap3A_130 = arith.constant 80 : index
      %swap3A_131 = tpu.vector_load %arg12[%swap3A_129, %swap3A_130] {strides = array<i32>} : memref<845x128xf32, #tpu.memory_space<vmem>>, vector<16xf32>,
      tpu.vector_store %arg12[%swap3A_129, %swap3A_130], %get3A_127 {strides = array<i32>} : memref<845x128xf32, #tpu.memory_space<vmem>>, vector<16xf32>,
      %get3A_132 = arith.constant 1 : i32
      %get3A_133 = arith.index_cast %get3A_132 : i32 to index
      %get3A_134 = arith.constant 96 : index
      %get3A_135 = tpu.vector_load %arg7[%get3A_133, %get3A_134] {strides = array<i32>} : memref<13x128xf32, #tpu.memory_space<vmem>>, vector<16xf32>,
      %swap3A_136 = arith.constant 1 : i32
      %swap3A_137 = arith.index_cast %swap3A_136 : i32 to index
      %swap3A_138 = arith.constant 96 : index
      %swap3A_139 = tpu.vector_load %arg12[%swap3A_137, %swap3A_138] {strides = array<i32>} : memref<845x128xf32, #tpu.memory_space<vmem>>, vector<16xf32>,
      tpu.vector_store %arg12[%swap3A_137, %swap3A_138], %get3A_135 {strides = array<i32>} : memref<845x128xf32, #tpu.memory_space<vmem>>, vector<16xf32>,
      %get3A_140 = arith.constant 1 : i32
      %get3A_141 = arith.index_cast %get3A_140 : i32 to index
      %get3A_142 = arith.constant 112 : index
      %get3A_143 = tpu.vector_load %arg7[%get3A_141, %get3A_142] {strides = array<i32>} : memref<13x128xf32, #tpu.memory_space<vmem>>, vector<16xf32>,
      %swap3A_144 = arith.constant 1 : i32
      %swap3A_145 = arith.index_cast %swap3A_144 : i32 to index
      %swap3A_146 = arith.constant 112 : index
      %swap3A_147 = tpu.vector_load %arg12[%swap3A_145, %swap3A_146] {strides = array<i32>} : memref<845x128xf32, #tpu.memory_space<vmem>>, vector<16xf32>,
      tpu.vector_store %arg12[%swap3A_145, %swap3A_146], %get3A_143 {strides = array<i32>} : memref<845x128xf32, #tpu.memory_space<vmem>>, vector<16xf32>,
      %get3A_148 = arith.constant 2 : i32
      %get3A_149 = arith.index_cast %get3A_148 : i32 to index
      %get3A_150 = arith.constant 0 : index
      %get3A_151 = tpu.vector_load %arg7[%get3A_149, %get3A_150] {strides = array<i32>} : memref<13x128xf32, #tpu.memory_space<vmem>>, vector<16xf32>,
      %swap3A_152 = arith.constant 2 : i32
      %swap3A_153 = arith.index_cast %swap3A_152 : i32 to index
      %swap3A_154 = arith.constant 0 : index
      %swap3A_155 = tpu.vector_load %arg12[%swap3A_153, %swap3A_154] {strides = array<i32>} : memref<845x128xf32, #tpu.memory_space<vmem>>, vector<16xf32>,
      tpu.vector_store %arg12[%swap3A_153, %swap3A_154], %get3A_151 {strides = array<i32>} : memref<845x128xf32, #tpu.memory_space<vmem>>, vector<16xf32>,
      %get3A_156 = arith.constant 2 : i32
      %get3A_157 = arith.index_cast %get3A_156 : i32 to index
      %get3A_158 = arith.constant 16 : index
      %get3A_159 = tpu.vector_load %arg7[%get3A_157, %get3A_158] {strides = array<i32>} : memref<13x128xf32, #tpu.memory_space<vmem>>, vector<16xf32>,
      %swap3A_160 = arith.constant 2 : i32
      %swap3A_161 = arith.index_cast %swap3A_160 : i32 to index
      %swap3A_162 = arith.constant 16 : index
      %swap3A_163 = tpu.vector_load %arg12[%swap3A_161, %swap3A_162] {strides = array<i32>} : memref<845x128xf32, #tpu.memory_space<vmem>>, vector<16xf32>,
      tpu.vector_store %arg12[%swap3A_161, %swap3A_162], %get3A_159 {strides = array<i32>} : memref<845x128xf32, #tpu.memory_space<vmem>>, vector<16xf32>,
      %get3A_164 = arith.constant 2 : i32
      %get3A_165 = arith.index_cast %get3A_164 : i32 to index
      %get3A_166 = arith.constant 32 : index
      %get3A_167 = tpu.vector_load %arg7[%get3A_165, %get3A_166] {strides = array<i32>} : memref<13x128xf32, #tpu.memory_space<vmem>>, vector<16xf32>,
      %swap3A_168 = arith.constant 2 : i32
      %swap3A_169 = arith.index_cast %swap3A_168 : i32 to index
      %swap3A_170 = arith.constant 32 : index
      %swap3A_171 = tpu.vector_load %arg12[%swap3A_169, %swap3A_170] {strides = array<i32>} : memref<845x128xf32, #tpu.memory_space<vmem>>, vector<16xf32>,
      tpu.vector_store %arg12[%swap3A_169, %swap3A_170], %get3A_167 {strides = array<i32>} : memref<845x128xf32, #tpu.memory_space<vmem>>, vector<16xf32>,
      %get3A_172 = arith.constant 2 : i32
      %get3A_173 = arith.index_cast %get3A_172 : i32 to index
      %get3A_174 = arith.constant 48 : index
      %get3A_175 = tpu.vector_load %arg7[%get3A_173, %get3A_174] {strides = array<i32>} : memref<13x128xf32, #tpu.memory_space<vmem>>, vector<16xf32>,
      %swap3A_176 = arith.constant 2 : i32
      %swap3A_177 = arith.index_cast %swap3A_176 : i32 to index
      %swap3A_178 = arith.constant 48 : index
      %swap3A_179 = tpu.vector_load %arg12[%swap3A_177, %swap3A_178] {strides = array<i32>} : memref<845x128xf32, #tpu.memory_space<vmem>>, vector<16xf32>,
      tpu.vector_store %arg12[%swap3A_177, %swap3A_178], %get3A_175 {strides = array<i32>} : memref<845x128xf32, #tpu.memory_space<vmem>>, vector<16xf32>,
      %get3A_180 = arith.constant 2 : i32
      %get3A_181 = arith.index_cast %get3A_180 : i32 to index
      %get3A_182 = arith.constant 64 : index
      %get3A_183 = tpu.vector_load %arg7[%get3A_181, %get3A_182] {strides = array<i32>} : memref<13x128xf32, #tpu.memory_space<vmem>>, vector<16xf32>,
      %swap3A_184 = arith.constant 2 : i32
      %swap3A_185 = arith.index_cast %swap3A_184 : i32 to index
      %swap3A_186 = arith.constant 64 : index
      %swap3A_187 = tpu.vector_load %arg12[%swap3A_185, %swap3A_186] {strides = array<i32>} : memref<845x128xf32, #tpu.memory_space<vmem>>, vector<16xf32>,
      tpu.vector_store %arg12[%swap3A_185, %swap3A_186], %get3A_183 {strides = array<i32>} : memref<845x128xf32, #tpu.memory_space<vmem>>, vector<16xf32>,
      %get3A_188 = arith.constant 2 : i32
      %get3A_189 = arith.index_cast %get3A_188 : i32 to index
      %get3A_190 = arith.constant 80 : index
      %get3A_191 = tpu.vector_load %arg7[%get3A_189, %get3A_190] {strides = array<i32>} : memref<13x128xf32, #tpu.memory_space<vmem>>, vector<16xf32>,
      %swap3A_192 = arith.constant 2 : i32
      %swap3A_193 = arith.index_cast %swap3A_192 : i32 to index
      %swap3A_194 = arith.constant 80 : index
      %swap3A_195 = tpu.vector_load %arg12[%swap3A_193, %swap3A_194] {strides = array<i32>} : memref<845x128xf32, #tpu.memory_space<vmem>>, vector<16xf32>,
      tpu.vector_store %arg12[%swap3A_193, %swap3A_194], %get3A_191 {strides = array<i32>} : memref<845x128xf32, #tpu.memory_space<vmem>>, vector<16xf32>,
      %get3A_196 = arith.constant 2 : i32
      %get3A_197 = arith.index_cast %get3A_196 : i32 to index
      %get3A_198 = arith.constant 96 : index
      %get3A_199 = tpu.vector_load %arg7[%get3A_197, %get3A_198] {strides = array<i32>} : memref<13x128xf32, #tpu.memory_space<vmem>>, vector<16xf32>,
      %swap3A_200 = arith.constant 2 : i32
      %swap3A_201 = arith.index_cast %swap3A_200 : i32 to index
      %swap3A_202 = arith.constant 96 : index
      %swap3A_203 = tpu.vector_load %arg12[%swap3A_201, %swap3A_202] {strides = array<i32>} : memref<845x128xf32, #tpu.memory_space<vmem>>, vector<16xf32>,
      tpu.vector_store %arg12[%swap3A_201, %swap3A_202], %get3A_199 {strides = array<i32>} : memref<845x128xf32, #tpu.memory_space<vmem>>, vector<16xf32>,
      %get3A_204 = arith.constant 2 : i32
      %get3A_205 = arith.index_cast %get3A_204 : i32 to index
      %get3A_206 = arith.constant 112 : index
      %get3A_207 = tpu.vector_load %arg7[%get3A_205, %get3A_206] {strides = array<i32>} : memref<13x128xf32, #tpu.memory_space<vmem>>, vector<16xf32>,
      %swap3A_208 = arith.constant 2 : i32
      %swap3A_209 = arith.index_cast %swap3A_208 : i32 to index
      %swap3A_210 = arith.constant 112 : index
      %swap3A_211 = tpu.vector_load %arg12[%swap3A_209, %swap3A_210] {strides = array<i32>} : memref<845x128xf32, #tpu.memory_space<vmem>>, vector<16xf32>,
      tpu.vector_store %arg12[%swap3A_209, %swap3A_210], %get3A_207 {strides = array<i32>} : memref<845x128xf32, #tpu.memory_space<vmem>>, vector<16xf32>,
      %get3A_212 = arith.constant 3 : i32
      %get3A_213 = arith.index_cast %get3A_212 : i32 to index
      %get3A_214 = arith.constant 0 : index
      %get3A_215 = tpu.vector_load %arg7[%get3A_213, %get3A_214] {strides = array<i32>} : memref<13x128xf32, #tpu.memory_space<vmem>>, vector<16xf32>,
      %swap3A_216 = arith.constant 3 : i32
      %swap3A_217 = arith.index_cast %swap3A_216 : i32 to index
      %swap3A_218 = arith.constant 0 : index
      %swap3A_219 = tpu.vector_load %arg12[%swap3A_217, %swap3A_218] {strides = array<i32>} : memref<845x128xf32, #tpu.memory_space<vmem>>, vector<16xf32>,
      tpu.vector_store %arg12[%swap3A_217, %swap3A_218], %get3A_215 {strides = array<i32>} : memref<845x128xf32, #tpu.memory_space<vmem>>, vector<16xf32>,
      %get3A_220 = arith.constant 3 : i32
      %get3A_221 = arith.index_cast %get3A_220 : i32 to index
      %get3A_222 = arith.constant 16 : index
      %get3A_223 = tpu.vector_load %arg7[%get3A_221, %get3A_222] {strides = array<i32>} : memref<13x128xf32, #tpu.memory_space<vmem>>, vector<16xf32>,
      %swap3A_224 = arith.constant 3 : i32
      %swap3A_225 = arith.index_cast %swap3A_224 : i32 to index
      %swap3A_226 = arith.constant 16 : index
      %swap3A_227 = tpu.vector_load %arg12[%swap3A_225, %swap3A_226] {strides = array<i32>} : memref<845x128xf32, #tpu.memory_space<vmem>>, vector<16xf32>,
      tpu.vector_store %arg12[%swap3A_225, %swap3A_226], %get3A_223 {strides = array<i32>} : memref<845x128xf32, #tpu.memory_space<vmem>>, vector<16xf32>,
      %get3A_228 = arith.constant 3 : i32
      %get3A_229 = arith.index_cast %get3A_228 : i32 to index
      %get3A_230 = arith.constant 32 : index
      %get3A_231 = tpu.vector_load %arg7[%get3A_229, %get3A_230] {strides = array<i32>} : memref<13x128xf32, #tpu.memory_space<vmem>>, vector<16xf32>,
      %swap3A_232 = arith.constant 3 : i32
      %swap3A_233 = arith.index_cast %swap3A_232 : i32 to index
      %swap3A_234 = arith.constant 32 : index
      %swap3A_235 = tpu.vector_load %arg12[%swap3A_233, %swap3A_234] {strides = array<i32>} : memref<845x128xf32, #tpu.memory_space<vmem>>, vector<16xf32>,
      tpu.vector_store %arg12[%swap3A_233, %swap3A_234], %get3A_231 {strides = array<i32>} : memref<845x128xf32, #tpu.memory_space<vmem>>, vector<16xf32>,
      %get3A_236 = arith.constant 3 : i32
      %get3A_237 = arith.index_cast %get3A_236 : i32 to index
      %get3A_238 = arith.constant 48 : index
      %get3A_239 = tpu.vector_load %arg7[%get3A_237, %get3A_238] {strides = array<i32>} : memref<13x128xf32, #tpu.memory_space<vmem>>, vector<16xf32>,
      %swap3A_240 = arith.constant 3 : i32
      %swap3A_241 = arith.index_cast %swap3A_240 : i32 to index
      %swap3A_242 = arith.constant 48 : index
      %swap3A_243 = tpu.vector_load %arg12[%swap3A_241, %swap3A_242] {strides = array<i32>} : memref<845x128xf32, #tpu.memory_space<vmem>>, vector<16xf32>,
      tpu.vector_store %arg12[%swap3A_241, %swap3A_242], %get3A_239 {strides = array<i32>} : memref<845x128xf32, #tpu.memory_space<vmem>>, vector<16xf32>,
      %get3A_244 = arith.constant 3 : i32
      %get3A_245 = arith.index_cast %get3A_244 : i32 to index
      %get3A_246 = arith.constant 64 : index
      %get3A_247 = tpu.vector_load %arg7[%get3A_245, %get3A_246] {strides = array<i32>} : memref<13x128xf32, #tpu.memory_space<vmem>>, vector<16xf32>,
      %swap3A_248 = arith.constant 3 : i32
      %swap3A_249 = arith.index_cast %swap3A_248 : i32 to index
      %swap3A_250 = arith.constant 64 : index
      %swap3A_251 = tpu.vector_load %arg12[%swap3A_249, %swap3A_250] {strides = array<i32>} : memref<845x128xf32, #tpu.memory_space<vmem>>, vector<16xf32>,
      tpu.vector_store %arg12[%swap3A_249, %swap3A_250], %get3A_247 {strides = array<i32>} : memref<845x128xf32, #tpu.memory_space<vmem>>, vector<16xf32>,
      %get3A_252 = arith.constant 3 : i32
      %get3A_253 = arith.index_cast %get3A_252 : i32 to index
      %get3A_254 = arith.constant 80 : index
      %get3A_255 = tpu.vector_load %arg7[%get3A_253, %get3A_254] {strides = array<i32>} : memref<13x128xf32, #tpu.memory_space<vmem>>, vector<16xf32>,
      %swap3A_256 = arith.constant 3 : i32
      %swap3A_257 = arith.index_cast %swap3A_256 : i32 to index
      %swap3A_258 = arith.constant 80 : index
      %swap3A_259 = tpu.vector_load %arg12[%swap3A_257, %swap3A_258] {strides = array<i32>} : memref<845x128xf32, #tpu.memory_space<vmem>>, vector<16xf32>,
      tpu.vector_store %arg12[%swap3A_257, %swap3A_258], %get3A_255 {strides = array<i32>} : memref<845x128xf32, #tpu.memory_space<vmem>>, vector<16xf32>,
      %get3A_260 = arith.constant 3 : i32
      %get3A_261 = arith.index_cast %get3A_260 : i32 to index
      %get3A_262 = arith.constant 96 : index
      %get3A_263 = tpu.vector_load %arg7[%get3A_261, %get3A_262] {strides = array<i32>} : memref<13x128xf32, #tpu.memory_space<vmem>>, vector<16xf32>,
      %swap3A_264 = arith.constant 3 : i32
      %swap3A_265 = arith.index_cast %swap3A_264 : i32 to index
      %swap3A_266 = arith.constant 96 : index
      %swap3A_267 = tpu.vector_load %arg12[%swap3A_265, %swap3A_266] {strides = array<i32>} : memref<845x128xf32, #tpu.memory_space<vmem>>, vector<16xf32>,
      tpu.vector_store %arg12[%swap3A_265, %swap3A_266], %get3A_263 {strides = array<i32>} : memref<845x128xf32, #tpu.memory_space<vmem>>, vector<16xf32>,
      %get3A_268 = arith.constant 3 : i32
      %get3A_269 = arith.index_cast %get3A_268 : i32 to index
      %get3A_270 = arith.constant 112 : index
      %get3A_271 = tpu.vector_load %arg7[%get3A_269, %get3A_270] {strides = array<i32>} : memref<13x128xf32, #tpu.memory_space<vmem>>, vector<16xf32>,
      %swap3A_272 = arith.constant 3 : i32
      %swap3A_273 = arith.index_cast %swap3A_272 : i32 to index
      %swap3A_274 = arith.constant 112 : index
      %swap3A_275 = tpu.vector_load %arg12[%swap3A_273, %swap3A_274] {strides = array<i32>} : memref<845x128xf32, #tpu.memory_space<vmem>>, vector<16xf32>,
      tpu.vector_store %arg12[%swap3A_273, %swap3A_274], %get3A_271 {strides = array<i32>} : memref<845x128xf32, #tpu.memory_space<vmem>>, vector<16xf32>,
      %get3A_276 = arith.constant 4 : i32
      %get3A_277 = arith.index_cast %get3A_276 : i32 to index
      %get3A_278 = arith.constant 0 : index
      %get3A_279 = tpu.vector_load %arg7[%get3A_277, %get3A_278] {strides = array<i32>} : memref<13x128xf32, #tpu.memory_space<vmem>>, vector<16xf32>,
      %swap3A_280 = arith.constant 4 : i32
      %swap3A_281 = arith.index_cast %swap3A_280 : i32 to index
      %swap3A_282 = arith.constant 0 : index
      %swap3A_283 = tpu.vector_load %arg12[%swap3A_281, %swap3A_282] {strides = array<i32>} : memref<845x128xf32, #tpu.memory_space<vmem>>, vector<16xf32>,
      tpu.vector_store %arg12[%swap3A_281, %swap3A_282], %get3A_279 {strides = array<i32>} : memref<845x128xf32, #tpu.memory_space<vmem>>, vector<16xf32>,
      %get3A_284 = arith.constant 4 : i32
      %get3A_285 = arith.index_cast %get3A_284 : i32 to index
      %get3A_286 = arith.constant 16 : index
      %get3A_287 = tpu.vector_load %arg7[%get3A_285, %get3A_286] {strides = array<i32>} : memref<13x128xf32, #tpu.memory_space<vmem>>, vector<16xf32>,
      %swap3A_288 = arith.constant 4 : i32
      %swap3A_289 = arith.index_cast %swap3A_288 : i32 to index
      %swap3A_290 = arith.constant 16 : index
      %swap3A_291 = tpu.vector_load %arg12[%swap3A_289, %swap3A_290] {strides = array<i32>} : memref<845x128xf32, #tpu.memory_space<vmem>>, vector<16xf32>,
      tpu.vector_store %arg12[%swap3A_289, %swap3A_290], %get3A_287 {strides = array<i32>} : memref<845x128xf32, #tpu.memory_space<vmem>>, vector<16xf32>,
      %get3A_292 = arith.constant 4 : i32
      %get3A_293 = arith.index_cast %get3A_292 : i32 to index
      %get3A_294 = arith.constant 32 : index
      %get3A_295 = tpu.vector_load %arg7[%get3A_293, %get3A_294] {strides = array<i32>} : memref<13x128xf32, #tpu.memory_space<vmem>>, vector<16xf32>,
      %swap3A_296 = arith.constant 4 : i32
      %swap3A_297 = arith.index_cast %swap3A_296 : i32 to index
      %swap3A_298 = arith.constant 32 : index
      %swap3A_299 = tpu.vector_load %arg12[%swap3A_297, %swap3A_298] {strides = array<i32>} : memref<845x128xf32, #tpu.memory_space<vmem>>, vector<16xf32>,
      tpu.vector_store %arg12[%swap3A_297, %swap3A_298], %get3A_295 {strides = array<i32>} : memref<845x128xf32, #tpu.memory_space<vmem>>, vector<16xf32>,
      %get3A_300 = arith.constant 4 : i32
      %get3A_301 = arith.index_cast %get3A_300 : i32 to index
      %get3A_302 = arith.constant 48 : index
      %get3A_303 = tpu.vector_load %arg7[%get3A_301, %get3A_302] {strides = array<i32>} : memref<13x128xf32, #tpu.memory_space<vmem>>, vector<16xf32>,
      %swap3A_304 = arith.constant 4 : i32
      %swap3A_305 = arith.index_cast %swap3A_304 : i32 to index
      %swap3A_306 = arith.constant 48 : index
      %swap3A_307 = tpu.vector_load %arg12[%swap3A_305, %swap3A_306] {strides = array<i32>} : memref<845x128xf32, #tpu.memory_space<vmem>>, vector<16xf32>,
      tpu.vector_store %arg12[%swap3A_305, %swap3A_306], %get3A_303 {strides = array<i32>} : memref<845x128xf32, #tpu.memory_space<vmem>>, vector<16xf32>,
      %get3A_308 = arith.constant 4 : i32
      %get3A_309 = arith.index_cast %get3A_308 : i32 to index
      %get3A_310 = arith.constant 64 : index
      %get3A_311 = tpu.vector_load %arg7[%get3A_309, %get3A_310] {strides = array<i32>} : memref<13x128xf32, #tpu.memory_space<vmem>>, vector<16xf32>,
      %swap3A_312 = arith.constant 4 : i32
      %swap3A_313 = arith.index_cast %swap3A_312 : i32 to index
      %swap3A_314 = arith.constant 64 : index
      %swap3A_315 = tpu.vector_load %arg12[%swap3A_313, %swap3A_314] {strides = array<i32>} : memref<845x128xf32, #tpu.memory_space<vmem>>, vector<16xf32>,
      tpu.vector_store %arg12[%swap3A_313, %swap3A_314], %get3A_311 {strides = array<i32>} : memref<845x128xf32, #tpu.memory_space<vmem>>, vector<16xf32>,
      %get3A_316 = arith.constant 4 : i32
      %get3A_317 = arith.index_cast %get3A_316 : i32 to index
      %get3A_318 = arith.constant 80 : index
      %get3A_319 = tpu.vector_load %arg7[%get3A_317, %get3A_318] {strides = array<i32>} : memref<13x128xf32, #tpu.memory_space<vmem>>, vector<16xf32>,
      %swap3A_320 = arith.constant 4 : i32
      %swap3A_321 = arith.index_cast %swap3A_320 : i32 to index
      %swap3A_322 = arith.constant 80 : index
      %swap3A_323 = tpu.vector_load %arg12[%swap3A_321, %swap3A_322] {strides = array<i32>} : memref<845x128xf32, #tpu.memory_space<vmem>>, vector<16xf32>,
      tpu.vector_store %arg12[%swap3A_321, %swap3A_322], %get3A_319 {strides = array<i32>} : memref<845x128xf32, #tpu.memory_space<vmem>>, vector<16xf32>,
      %get3A_324 = arith.constant 4 : i32
      %get3A_325 = arith.index_cast %get3A_324 : i32 to index
      %get3A_326 = arith.constant 96 : index
      %get3A_327 = tpu.vector_load %arg7[%get3A_325, %get3A_326] {strides = array<i32>} : memref<13x128xf32, #tpu.memory_space<vmem>>, vector<16xf32>,
      %swap3A_328 = arith.constant 4 : i32
      %swap3A_329 = arith.index_cast %swap3A_328 : i32 to index
      %swap3A_330 = arith.constant 96 : index
      %swap3A_331 = tpu.vector_load %arg12[%swap3A_329, %swap3A_330] {strides = array<i32>} : memref<845x128xf32, #tpu.memory_space<vmem>>, vector<16xf32>,
      tpu.vector_store %arg12[%swap3A_329, %swap3A_330], %get3A_327 {strides = array<i32>} : memref<845x128xf32, #tpu.memory_space<vmem>>, vector<16xf32>,
      %get3A_332 = arith.constant 4 : i32
      %get3A_333 = arith.index_cast %get3A_332 : i32 to index
      %get3A_334 = arith.constant 112 : index
      %get3A_335 = tpu.vector_load %arg7[%get3A_333, %get3A_334] {strides = array<i32>} : memref<13x128xf32, #tpu.memory_space<vmem>>, vector<16xf32>,
      %swap3A_336 = arith.constant 4 : i32
      %swap3A_337 = arith.index_cast %swap3A_336 : i32 to index
      %swap3A_338 = arith.constant 112 : index
      %swap3A_339 = tpu.vector_load %arg12[%swap3A_337, %swap3A_338] {strides = array<i32>} : memref<845x128xf32, #tpu.memory_space<vmem>>, vector<16xf32>,
      tpu.vector_store %arg12[%swap3A_337, %swap3A_338], %get3A_335 {strides = array<i32>} : memref<845x128xf32, #tpu.memory_space<vmem>>, vector<16xf32>,
      %get3A_340 = arith.constant 5 : i32
      %get3A_341 = arith.index_cast %get3A_340 : i32 to index
      %get3A_342 = arith.constant 0 : index
      %get3A_343 = tpu.vector_load %arg7[%get3A_341, %get3A_342] {strides = array<i32>} : memref<13x128xf32, #tpu.memory_space<vmem>>, vector<16xf32>,
      %swap3A_344 = arith.constant 5 : i32
      %swap3A_345 = arith.index_cast %swap3A_344 : i32 to index
      %swap3A_346 = arith.constant 0 : index
      %swap3A_347 = tpu.vector_load %arg12[%swap3A_345, %swap3A_346] {strides = array<i32>} : memref<845x128xf32, #tpu.memory_space<vmem>>, vector<16xf32>,
      tpu.vector_store %arg12[%swap3A_345, %swap3A_346], %get3A_343 {strides = array<i32>} : memref<845x128xf32, #tpu.memory_space<vmem>>, vector<16xf32>,
      %get3A_348 = arith.constant 5 : i32
      %get3A_349 = arith.index_cast %get3A_348 : i32 to index
      %get3A_350 = arith.constant 16 : index
      %get3A_351 = tpu.vector_load %arg7[%get3A_349, %get3A_350] {strides = array<i32>} : memref<13x128xf32, #tpu.memory_space<vmem>>, vector<16xf32>,
      %swap3A_352 = arith.constant 5 : i32
      %swap3A_353 = arith.index_cast %swap3A_352 : i32 to index
      %swap3A_354 = arith.constant 16 : index
      %swap3A_355 = tpu.vector_load %arg12[%swap3A_353, %swap3A_354] {strides = array<i32>} : memref<845x128xf32, #tpu.memory_space<vmem>>, vector<16xf32>,
      tpu.vector_store %arg12[%swap3A_353, %swap3A_354], %get3A_351 {strides = array<i32>} : memref<845x128xf32, #tpu.memory_space<vmem>>, vector<16xf32>,
      %get3A_356 = arith.constant 5 : i32
      %get3A_357 = arith.index_cast %get3A_356 : i32 to index
      %get3A_358 = arith.constant 32 : index
      %get3A_359 = tpu.vector_load %arg7[%get3A_357, %get3A_358] {strides = array<i32>} : memref<13x128xf32, #tpu.memory_space<vmem>>, vector<16xf32>,
      %swap3A_360 = arith.constant 5 : i32
      %swap3A_361 = arith.index_cast %swap3A_360 : i32 to index
      %swap3A_362 = arith.constant 32 : index
      %swap3A_363 = tpu.vector_load %arg12[%swap3A_361, %swap3A_362] {strides = array<i32>} : memref<845x128xf32, #tpu.memory_space<vmem>>, vector<16xf32>,
      tpu.vector_store %arg12[%swap3A_361, %swap3A_362], %get3A_359 {strides = array<i32>} : memref<845x128xf32, #tpu.memory_space<vmem>>, vector<16xf32>,
      %get3A_364 = arith.constant 5 : i32
      %get3A_365 = arith.index_cast %get3A_364 : i32 to index
      %get3A_366 = arith.constant 48 : index
      %get3A_367 = tpu.vector_load %arg7[%get3A_365, %get3A_366] {strides = array<i32>} : memref<13x128xf32, #tpu.memory_space<vmem>>, vector<16xf32>,
      %swap3A_368 = arith.constant 5 : i32
      %swap3A_369 = arith.index_cast %swap3A_368 : i32 to index
      %swap3A_370 = arith.constant 48 : index
      %swap3A_371 = tpu.vector_load %arg12[%swap3A_369, %swap3A_370] {strides = array<i32>} : memref<845x128xf32, #tpu.memory_space<vmem>>, vector<16xf32>,
      tpu.vector_store %arg12[%swap3A_369, %swap3A_370], %get3A_367 {strides = array<i32>} : memref<845x128xf32, #tpu.memory_space<vmem>>, vector<16xf32>,
      %get3A_372 = arith.constant 5 : i32
      %get3A_373 = arith.index_cast %get3A_372 : i32 to index
      %get3A_374 = arith.constant 64 : index
      %get3A_375 = tpu.vector_load %arg7[%get3A_373, %get3A_374] {strides = array<i32>} : memref<13x128xf32, #tpu.memory_space<vmem>>, vector<16xf32>,
      %swap3A_376 = arith.constant 5 : i32
      %swap3A_377 = arith.index_cast %swap3A_376 : i32 to index
      %swap3A_378 = arith.constant 64 : index
      %swap3A_379 = tpu.vector_load %arg12[%swap3A_377, %swap3A_378] {strides = array<i32>} : memref<845x128xf32, #tpu.memory_space<vmem>>, vector<16xf32>,
      tpu.vector_store %arg12[%swap3A_377, %swap3A_378], %get3A_375 {strides = array<i32>} : memref<845x128xf32, #tpu.memory_space<vmem>>, vector<16xf32>,
      %get3A_380 = arith.constant 5 : i32
      %get3A_381 = arith.index_cast %get3A_380 : i32 to index
      %get3A_382 = arith.constant 80 : index
      %get3A_383 = tpu.vector_load %arg7[%get3A_381, %get3A_382] {strides = array<i32>} : memref<13x128xf32, #tpu.memory_space<vmem>>, vector<16xf32>,
      %swap3A_384 = arith.constant 5 : i32
      %swap3A_385 = arith.index_cast %swap3A_384 : i32 to index
      %swap3A_386 = arith.constant 80 : index
      %swap3A_387 = tpu.vector_load %arg12[%swap3A_385, %swap3A_386] {strides = array<i32>} : memref<845x128xf32, #tpu.memory_space<vmem>>, vector<16xf32>,
      tpu.vector_store %arg12[%swap3A_385, %swap3A_386], %get3A_383 {strides = array<i32>} : memref<845x128xf32, #tpu.memory_space<vmem>>, vector<16xf32>,
      %get3A_388 = arith.constant 5 : i32
      %get3A_389 = arith.index_cast %get3A_388 : i32 to index
      %get3A_390 = arith.constant 96 : index
      %get3A_391 = tpu.vector_load %arg7[%get3A_389, %get3A_390] {strides = array<i32>} : memref<13x128xf32, #tpu.memory_space<vmem>>, vector<16xf32>,
      %swap3A_392 = arith.constant 5 : i32
      %swap3A_393 = arith.index_cast %swap3A_392 : i32 to index
      %swap3A_394 = arith.constant 96 : index
      %swap3A_395 = tpu.vector_load %arg12[%swap3A_393, %swap3A_394] {strides = array<i32>} : memref<845x128xf32, #tpu.memory_space<vmem>>, vector<16xf32>,
      tpu.vector_store %arg12[%swap3A_393, %swap3A_394], %get3A_391 {strides = array<i32>} : memref<845x128xf32, #tpu.memory_space<vmem>>, vector<16xf32>,
      %get3A_396 = arith.constant 5 : i32
      %get3A_397 = arith.index_cast %get3A_396 : i32 to index
      %get3A_398 = arith.constant 112 : index
      %get3A_399 = tpu.vector_load %arg7[%get3A_397, %get3A_398] {strides = array<i32>} : memref<13x128xf32, #tpu.memory_space<vmem>>, vector<16xf32>,
      %swap3A_400 = arith.constant 5 : i32
      %swap3A_401 = arith.index_cast %swap3A_400 : i32 to index
      %swap3A_402 = arith.constant 112 : index
      %swap3A_403 = tpu.vector_load %arg12[%swap3A_401, %swap3A_402] {strides = array<i32>} : memref<845x128xf32, #tpu.memory_space<vmem>>, vector<16xf32>,
      tpu.vector_store %arg12[%swap3A_401, %swap3A_402], %get3A_399 {strides = array<i32>} : memref<845x128xf32, #tpu.memory_space<vmem>>, vector<16xf32>,
      %get3A_404 = arith.constant 6 : i32
      %get3A_405 = arith.index_cast %get3A_404 : i32 to index
      %get3A_406 = arith.constant 0 : index
      %get3A_407 = tpu.vector_load %arg7[%get3A_405, %get3A_406] {strides = array<i32>} : memref<13x128xf32, #tpu.memory_space<vmem>>, vector<16xf32>,
      %swap3A_408 = arith.constant 6 : i32
      %swap3A_409 = arith.index_cast %swap3A_408 : i32 to index
      %swap3A_410 = arith.constant 0 : index
      %swap3A_411 = tpu.vector_load %arg12[%swap3A_409, %swap3A_410] {strides = array<i32>} : memref<845x128xf32, #tpu.memory_space<vmem>>, vector<16xf32>,
      tpu.vector_store %arg12[%swap3A_409, %swap3A_410], %get3A_407 {strides = array<i32>} : memref<845x128xf32, #tpu.memory_space<vmem>>, vector<16xf32>,
      %get3A_412 = arith.constant 6 : i32
      %get3A_413 = arith.index_cast %get3A_412 : i32 to index
      %get3A_414 = arith.constant 16 : index
      %get3A_415 = tpu.vector_load %arg7[%get3A_413, %get3A_414] {strides = array<i32>} : memref<13x128xf32, #tpu.memory_space<vmem>>, vector<16xf32>,
      %swap3A_416 = arith.constant 6 : i32
      %swap3A_417 = arith.index_cast %swap3A_416 : i32 to index
      %swap3A_418 = arith.constant 16 : index
      %swap3A_419 = tpu.vector_load %arg12[%swap3A_417, %swap3A_418] {strides = array<i32>} : memref<845x128xf32, #tpu.memory_space<vmem>>, vector<16xf32>,
      tpu.vector_store %arg12[%swap3A_417, %swap3A_418], %get3A_415 {strides = array<i32>} : memref<845x128xf32, #tpu.memory_space<vmem>>, vector<16xf32>,
      %get3A_420 = arith.constant 6 : i32
      %get3A_421 = arith.index_cast %get3A_420 : i32 to index
      %get3A_422 = arith.constant 32 : index
      %get3A_423 = tpu.vector_load %arg7[%get3A_421, %get3A_422] {strides = array<i32>} : memref<13x128xf32, #tpu.memory_space<vmem>>, vector<16xf32>,
      %swap3A_424 = arith.constant 6 : i32
      %swap3A_425 = arith.index_cast %swap3A_424 : i32 to index
      %swap3A_426 = arith.constant 32 : index
      %swap3A_427 = tpu.vector_load %arg12[%swap3A_425, %swap3A_426] {strides = array<i32>} : memref<845x128xf32, #tpu.memory_space<vmem>>, vector<16xf32>,
      tpu.vector_store %arg12[%swap3A_425, %swap3A_426], %get3A_423 {strides = array<i32>} : memref<845x128xf32, #tpu.memory_space<vmem>>, vector<16xf32>,
      %get3A_428 = arith.constant 6 : i32
      %get3A_429 = arith.index_cast %get3A_428 : i32 to index
      %get3A_430 = arith.constant 48 : index
      %get3A_431 = tpu.vector_load %arg7[%get3A_429, %get3A_430] {strides = array<i32>} : memref<13x128xf32, #tpu.memory_space<vmem>>, vector<16xf32>,
      %swap3A_432 = arith.constant 6 : i32
      %swap3A_433 = arith.index_cast %swap3A_432 : i32 to index
      %swap3A_434 = arith.constant 48 : index
      %swap3A_435 = tpu.vector_load %arg12[%swap3A_433, %swap3A_434] {strides = array<i32>} : memref<845x128xf32, #tpu.memory_space<vmem>>, vector<16xf32>,
      tpu.vector_store %arg12[%swap3A_433, %swap3A_434], %get3A_431 {strides = array<i32>} : memref<845x128xf32, #tpu.memory_space<vmem>>, vector<16xf32>,
      %get3A_436 = arith.constant 6 : i32
      %get3A_437 = arith.index_cast %get3A_436 : i32 to index
      %get3A_438 = arith.constant 64 : index
      %get3A_439 = tpu.vector_load %arg7[%get3A_437, %get3A_438] {strides = array<i32>} : memref<13x128xf32, #tpu.memory_space<vmem>>, vector<16xf32>,
      %swap3A_440 = arith.constant 6 : i32
      %swap3A_441 = arith.index_cast %swap3A_440 : i32 to index
      %swap3A_442 = arith.constant 64 : index
      %swap3A_443 = tpu.vector_load %arg12[%swap3A_441, %swap3A_442] {strides = array<i32>} : memref<845x128xf32, #tpu.memory_space<vmem>>, vector<16xf32>,
      tpu.vector_store %arg12[%swap3A_441, %swap3A_442], %get3A_439 {strides = array<i32>} : memref<845x128xf32, #tpu.memory_space<vmem>>, vector<16xf32>,
      %get3A_444 = arith.constant 6 : i32
      %get3A_445 = arith.index_cast %get3A_444 : i32 to index
      %get3A_446 = arith.constant 80 : index
      %get3A_447 = tpu.vector_load %arg7[%get3A_445, %get3A_446] {strides = array<i32>} : memref<13x128xf32, #tpu.memory_space<vmem>>, vector<16xf32>,
      %swap3A_448 = arith.constant 6 : i32
      %swap3A_449 = arith.index_cast %swap3A_448 : i32 to index
      %swap3A_450 = arith.constant 80 : index
      %swap3A_451 = tpu.vector_load %arg12[%swap3A_449, %swap3A_450] {strides = array<i32>} : memref<845x128xf32, #tpu.memory_space<vmem>>, vector<16xf32>,
      tpu.vector_store %arg12[%swap3A_449, %swap3A_450], %get3A_447 {strides = array<i32>} : memref<845x128xf32, #tpu.memory_space<vmem>>, vector<16xf32>,
      %get3A_452 = arith.constant 6 : i32
      %get3A_453 = arith.index_cast %get3A_452 : i32 to index
      %get3A_454 = arith.constant 96 : index
      %get3A_455 = tpu.vector_load %arg7[%get3A_453, %get3A_454] {strides = array<i32>} : memref<13x128xf32, #tpu.memory_space<vmem>>, vector<16xf32>,
      %swap3A_456 = arith.constant 6 : i32
      %swap3A_457 = arith.index_cast %swap3A_456 : i32 to index
      %swap3A_458 = arith.constant 96 : index
      %swap3A_459 = tpu.vector_load %arg12[%swap3A_457, %swap3A_458] {strides = array<i32>} : memref<845x128xf32, #tpu.memory_space<vmem>>, vector<16xf32>,
      tpu.vector_store %arg12[%swap3A_457, %swap3A_458], %get3A_455 {strides = array<i32>} : memref<845x128xf32, #tpu.memory_space<vmem>>, vector<16xf32>,
      %get3A_460 = arith.constant 6 : i32
      %get3A_461 = arith.index_cast %get3A_460 : i32 to index
      %get3A_462 = arith.constant 112 : index
      %get3A_463 = tpu.vector_load %arg7[%get3A_461, %get3A_462] {strides = array<i32>} : memref<13x128xf32, #tpu.memory_space<vmem>>, vector<16xf32>,
      %swap3A_464 = arith.constant 6 : i32
      %swap3A_465 = arith.index_cast %swap3A_464 : i32 to index
      %swap3A_466 = arith.constant 112 : index
      %swap3A_467 = tpu.vector_load %arg12[%swap3A_465, %swap3A_466] {strides = array<i32>} : memref<845x128xf32, #tpu.memory_space<vmem>>, vector<16xf32>,
      tpu.vector_store %arg12[%swap3A_465, %swap3A_466], %get3A_463 {strides = array<i32>} : memref<845x128xf32, #tpu.memory_space<vmem>>, vector<16xf32>,
      %get3A_468 = arith.constant 7 : i32
      %get3A_469 = arith.index_cast %get3A_468 : i32 to index
      %get3A_470 = arith.constant 0 : index
      %get3A_471 = tpu.vector_load %arg7[%get3A_469, %get3A_470] {strides = array<i32>} : memref<13x128xf32, #tpu.memory_space<vmem>>, vector<16xf32>,
      %swap3A_472 = arith.constant 7 : i32
      %swap3A_473 = arith.index_cast %swap3A_472 : i32 to index
      %swap3A_474 = arith.constant 0 : index
      %swap3A_475 = tpu.vector_load %arg12[%swap3A_473, %swap3A_474] {strides = array<i32>} : memref<845x128xf32, #tpu.memory_space<vmem>>, vector<16xf32>,
      tpu.vector_store %arg12[%swap3A_473, %swap3A_474], %get3A_471 {strides = array<i32>} : memref<845x128xf32, #tpu.memory_space<vmem>>, vector<16xf32>,
      %get3A_476 = arith.constant 7 : i32
      %get3A_477 = arith.index_cast %get3A_476 : i32 to index
      %get3A_478 = arith.constant 16 : index
      %get3A_479 = tpu.vector_load %arg7[%get3A_477, %get3A_478] {strides = array<i32>} : memref<13x128xf32, #tpu.memory_space<vmem>>, vector<16xf32>,
      %swap3A_480 = arith.constant 7 : i32
      %swap3A_481 = arith.index_cast %swap3A_480 : i32 to index
      %swap3A_482 = arith.constant 16 : index
      %swap3A_483 = tpu.vector_load %arg12[%swap3A_481, %swap3A_482] {strides = array<i32>} : memref<845x128xf32, #tpu.memory_space<vmem>>, vector<16xf32>,
      tpu.vector_store %arg12[%swap3A_481, %swap3A_482], %get3A_479 {strides = array<i32>} : memref<845x128xf32, #tpu.memory_space<vmem>>, vector<16xf32>,
      %get3A_484 = arith.constant 7 : i32
      %get3A_485 = arith.index_cast %get3A_484 : i32 to index
      %get3A_486 = arith.constant 32 : index
      %get3A_487 = tpu.vector_load %arg7[%get3A_485, %get3A_486] {strides = array<i32>} : memref<13x128xf32, #tpu.memory_space<vmem>>, vector<16xf32>,
      %swap3A_488 = arith.constant 7 : i32
      %swap3A_489 = arith.index_cast %swap3A_488 : i32 to index
      %swap3A_490 = arith.constant 32 : index
      %swap3A_491 = tpu.vector_load %arg12[%swap3A_489, %swap3A_490] {strides = array<i32>} : memref<845x128xf32, #tpu.memory_space<vmem>>, vector<16xf32>,
      tpu.vector_store %arg12[%swap3A_489, %swap3A_490], %get3A_487 {strides = array<i32>} : memref<845x128xf32, #tpu.memory_space<vmem>>, vector<16xf32>,
      %get3A_492 = arith.constant 7 : i32
      %get3A_493 = arith.index_cast %get3A_492 : i32 to index
      %get3A_494 = arith.constant 48 : index
      %get3A_495 = tpu.vector_load %arg7[%get3A_493, %get3A_494] {strides = array<i32>} : memref<13x128xf32, #tpu.memory_space<vmem>>, vector<16xf32>,
      %swap3A_496 = arith.constant 7 : i32
      %swap3A_497 = arith.index_cast %swap3A_496 : i32 to index
      %swap3A_498 = arith.constant 48 : index
      %swap3A_499 = tpu.vector_load %arg12[%swap3A_497, %swap3A_498] {strides = array<i32>} : memref<845x128xf32, #tpu.memory_space<vmem>>, vector<16xf32>,
      tpu.vector_store %arg12[%swap3A_497, %swap3A_498], %get3A_495 {strides = array<i32>} : memref<845x128xf32, #tpu.memory_space<vmem>>, vector<16xf32>,
      %get3A_500 = arith.constant 7 : i32
      %get3A_501 = arith.index_cast %get3A_500 : i32 to index
      %get3A_502 = arith.constant 64 : index
      %get3A_503 = tpu.vector_load %arg7[%get3A_501, %get3A_502] {strides = array<i32>} : memref<13x128xf32, #tpu.memory_space<vmem>>, vector<16xf32>,
      %swap3A_504 = arith.constant 7 : i32
      %swap3A_505 = arith.index_cast %swap3A_504 : i32 to index
      %swap3A_506 = arith.constant 64 : index
      %swap3A_507 = tpu.vector_load %arg12[%swap3A_505, %swap3A_506] {strides = array<i32>} : memref<845x128xf32, #tpu.memory_space<vmem>>, vector<16xf32>,
      tpu.vector_store %arg12[%swap3A_505, %swap3A_506], %get3A_503 {strides = array<i32>} : memref<845x128xf32, #tpu.memory_space<vmem>>, vector<16xf32>,
      %get3A_508 = arith.constant 7 : i32
      %get3A_509 = arith.index_cast %get3A_508 : i32 to index
      %get3A_510 = arith.constant 80 : index
      %get3A_511 = tpu.vector_load %arg7[%get3A_509, %get3A_510] {strides = array<i32>} : memref<13x128xf32, #tpu.memory_space<vmem>>, vector<16xf32>,
      %swap3A_512 = arith.constant 7 : i32
      %swap3A_513 = arith.index_cast %swap3A_512 : i32 to index
      %swap3A_514 = arith.constant 80 : index
      %swap3A_515 = tpu.vector_load %arg12[%swap3A_513, %swap3A_514] {strides = array<i32>} : memref<845x128xf32, #tpu.memory_space<vmem>>, vector<16xf32>,
      tpu.vector_store %arg12[%swap3A_513, %swap3A_514], %get3A_511 {strides = array<i32>} : memref<845x128xf32, #tpu.memory_space<vmem>>, vector<16xf32>,
      %get3A_516 = arith.constant 7 : i32
      %get3A_517 = arith.index_cast %get3A_516 : i32 to index
      %get3A_518 = arith.constant 96 : index
      %get3A_519 = tpu.vector_load %arg7[%get3A_517, %get3A_518] {strides = array<i32>} : memref<13x128xf32, #tpu.memory_space<vmem>>, vector<16xf32>,
      %swap3A_520 = arith.constant 7 : i32
      %swap3A_521 = arith.index_cast %swap3A_520 : i32 to index
      %swap3A_522 = arith.constant 96 : index
      %swap3A_523 = tpu.vector_load %arg12[%swap3A_521, %swap3A_522] {strides = array<i32>} : memref<845x128xf32, #tpu.memory_space<vmem>>, vector<16xf32>,
      tpu.vector_store %arg12[%swap3A_521, %swap3A_522], %get3A_519 {strides = array<i32>} : memref<845x128xf32, #tpu.memory_space<vmem>>, vector<16xf32>,
      %get3A_524 = arith.constant 7 : i32
      %get3A_525 = arith.index_cast %get3A_524 : i32 to index
      %get3A_526 = arith.constant 112 : index
      %get3A_527 = tpu.vector_load %arg7[%get3A_525, %get3A_526] {strides = array<i32>} : memref<13x128xf32, #tpu.memory_space<vmem>>, vector<16xf32>,
      %swap3A_528 = arith.constant 7 : i32
      %swap3A_529 = arith.index_cast %swap3A_528 : i32 to index
      %swap3A_530 = arith.constant 112 : index
      %swap3A_531 = tpu.vector_load %arg12[%swap3A_529, %swap3A_530] {strides = array<i32>} : memref<845x128xf32, #tpu.memory_space<vmem>>, vector<16xf32>,
      tpu.vector_store %arg12[%swap3A_529, %swap3A_530], %get3A_527 {strides = array<i32>} : memref<845x128xf32, #tpu.memory_space<vmem>>, vector<16xf32>,
      %get3A_532 = arith.constant 8 : i32
      %get3A_533 = arith.index_cast %get3A_532 : i32 to index
      %get3A_534 = arith.constant 0 : index
      %get3A_535 = tpu.vector_load %arg7[%get3A_533, %get3A_534] {strides = array<i32>} : memref<13x128xf32, #tpu.memory_space<vmem>>, vector<16xf32>,
      %swap3A_536 = arith.constant 8 : i32
      %swap3A_537 = arith.index_cast %swap3A_536 : i32 to index
      %swap3A_538 = arith.constant 0 : index
      %swap3A_539 = tpu.vector_load %arg12[%swap3A_537, %swap3A_538] {strides = array<i32>} : memref<845x128xf32, #tpu.memory_space<vmem>>, vector<16xf32>,
      tpu.vector_store %arg12[%swap3A_537, %swap3A_538], %get3A_535 {strides = array<i32>} : memref<845x128xf32, #tpu.memory_space<vmem>>, vector<16xf32>,
      %get3A_540 = arith.constant 8 : i32
      %get3A_541 = arith.index_cast %get3A_540 : i32 to index
      %get3A_542 = arith.constant 16 : index
      %get3A_543 = tpu.vector_load %arg7[%get3A_541, %get3A_542] {strides = array<i32>} : memref<13x128xf32, #tpu.memory_space<vmem>>, vector<16xf32>,
      %swap3A_544 = arith.constant 8 : i32
      %swap3A_545 = arith.index_cast %swap3A_544 : i32 to index
      %swap3A_546 = arith.constant 16 : index
      %swap3A_547 = tpu.vector_load %arg12[%swap3A_545, %swap3A_546] {strides = array<i32>} : memref<845x128xf32, #tpu.memory_space<vmem>>, vector<16xf32>,
      tpu.vector_store %arg12[%swap3A_545, %swap3A_546], %get3A_543 {strides = array<i32>} : memref<845x128xf32, #tpu.memory_space<vmem>>, vector<16xf32>,
      %get3A_548 = arith.constant 8 : i32
      %get3A_549 = arith.index_cast %get3A_548 : i32 to index
      %get3A_550 = arith.constant 32 : index
      %get3A_551 = tpu.vector_load %arg7[%get3A_549, %get3A_550] {strides = array<i32>} : memref<13x128xf32, #tpu.memory_space<vmem>>, vector<16xf32>,
      %swap3A_552 = arith.constant 8 : i32
      %swap3A_553 = arith.index_cast %swap3A_552 : i32 to index
      %swap3A_554 = arith.constant 32 : index
      %swap3A_555 = tpu.vector_load %arg12[%swap3A_553, %swap3A_554] {strides = array<i32>} : memref<845x128xf32, #tpu.memory_space<vmem>>, vector<16xf32>,
      tpu.vector_store %arg12[%swap3A_553, %swap3A_554], %get3A_551 {strides = array<i32>} : memref<845x128xf32, #tpu.memory_space<vmem>>, vector<16xf32>,
      %get3A_556 = arith.constant 8 : i32
      %get3A_557 = arith.index_cast %get3A_556 : i32 to index
      %get3A_558 = arith.constant 48 : index
      %get3A_559 = tpu.vector_load %arg7[%get3A_557, %get3A_558] {strides = array<i32>} : memref<13x128xf32, #tpu.memory_space<vmem>>, vector<16xf32>,
      %swap3A_560 = arith.constant 8 : i32
      %swap3A_561 = arith.index_cast %swap3A_560 : i32 to index
      %swap3A_562 = arith.constant 48 : index
      %swap3A_563 = tpu.vector_load %arg12[%swap3A_561, %swap3A_562] {strides = array<i32>} : memref<845x128xf32, #tpu.memory_space<vmem>>, vector<16xf32>,
      tpu.vector_store %arg12[%swap3A_561, %swap3A_562], %get3A_559 {strides = array<i32>} : memref<845x128xf32, #tpu.memory_space<vmem>>, vector<16xf32>,
      %get3A_564 = arith.constant 8 : i32
      %get3A_565 = arith.index_cast %get3A_564 : i32 to index
      %get3A_566 = arith.constant 64 : index
      %get3A_567 = tpu.vector_load %arg7[%get3A_565, %get3A_566] {strides = array<i32>} : memref<13x128xf32, #tpu.memory_space<vmem>>, vector<16xf32>,
      %swap3A_568 = arith.constant 8 : i32
      %swap3A_569 = arith.index_cast %swap3A_568 : i32 to index
      %swap3A_570 = arith.constant 64 : index
      %swap3A_571 = tpu.vector_load %arg12[%swap3A_569, %swap3A_570] {strides = array<i32>} : memref<845x128xf32, #tpu.memory_space<vmem>>, vector<16xf32>,
      tpu.vector_store %arg12[%swap3A_569, %swap3A_570], %get3A_567 {strides = array<i32>} : memref<845x128xf32, #tpu.memory_space<vmem>>, vector<16xf32>,
      %get3A_572 = arith.constant 8 : i32
      %get3A_573 = arith.index_cast %get3A_572 : i32 to index
      %get3A_574 = arith.constant 80 : index
      %get3A_575 = tpu.vector_load %arg7[%get3A_573, %get3A_574] {strides = array<i32>} : memref<13x128xf32, #tpu.memory_space<vmem>>, vector<16xf32>,
      %swap3A_576 = arith.constant 8 : i32
      %swap3A_577 = arith.index_cast %swap3A_576 : i32 to index
      %swap3A_578 = arith.constant 80 : index
      %swap3A_579 = tpu.vector_load %arg12[%swap3A_577, %swap3A_578] {strides = array<i32>} : memref<845x128xf32, #tpu.memory_space<vmem>>, vector<16xf32>,
      tpu.vector_store %arg12[%swap3A_577, %swap3A_578], %get3A_575 {strides = array<i32>} : memref<845x128xf32, #tpu.memory_space<vmem>>, vector<16xf32>,
      %get3A_580 = arith.constant 8 : i32
      %get3A_581 = arith.index_cast %get3A_580 : i32 to index
      %get3A_582 = arith.constant 96 : index
      %get3A_583 = tpu.vector_load %arg7[%get3A_581, %get3A_582] {strides = array<i32>} : memref<13x128xf32, #tpu.memory_space<vmem>>, vector<16xf32>,
      %swap3A_584 = arith.constant 8 : i32
      %swap3A_585 = arith.index_cast %swap3A_584 : i32 to index
      %swap3A_586 = arith.constant 96 : index
      %swap3A_587 = tpu.vector_load %arg12[%swap3A_585, %swap3A_586] {strides = array<i32>} : memref<845x128xf32, #tpu.memory_space<vmem>>, vector<16xf32>,
      tpu.vector_store %arg12[%swap3A_585, %swap3A_586], %get3A_583 {strides = array<i32>} : memref<845x128xf32, #tpu.memory_space<vmem>>, vector<16xf32>,
      %get3A_588 = arith.constant 8 : i32
      %get3A_589 = arith.index_cast %get3A_588 : i32 to index
      %get3A_590 = arith.constant 112 : index
      %get3A_591 = tpu.vector_load %arg7[%get3A_589, %get3A_590] {strides = array<i32>} : memref<13x128xf32, #tpu.memory_space<vmem>>, vector<16xf32>,
      %swap3A_592 = arith.constant 8 : i32
      %swap3A_593 = arith.index_cast %swap3A_592 : i32 to index
      %swap3A_594 = arith.constant 112 : index
      %swap3A_595 = tpu.vector_load %arg12[%swap3A_593, %swap3A_594] {strides = array<i32>} : memref<845x128xf32, #tpu.memory_space<vmem>>, vector<16xf32>,
      tpu.vector_store %arg12[%swap3A_593, %swap3A_594], %get3A_591 {strides = array<i32>} : memref<845x128xf32, #tpu.memory_space<vmem>>, vector<16xf32>,
      %get3A_596 = arith.constant 9 : i32
      %get3A_597 = arith.index_cast %get3A_596 : i32 to index
      %get3A_598 = arith.constant 0 : index
      %get3A_599 = tpu.vector_load %arg7[%get3A_597, %get3A_598] {strides = array<i32>} : memref<13x128xf32, #tpu.memory_space<vmem>>, vector<16xf32>,
      %swap3A_600 = arith.constant 9 : i32
      %swap3A_601 = arith.index_cast %swap3A_600 : i32 to index
      %swap3A_602 = arith.constant 0 : index
      %swap3A_603 = tpu.vector_load %arg12[%swap3A_601, %swap3A_602] {strides = array<i32>} : memref<845x128xf32, #tpu.memory_space<vmem>>, vector<16xf32>,
      tpu.vector_store %arg12[%swap3A_601, %swap3A_602], %get3A_599 {strides = array<i32>} : memref<845x128xf32, #tpu.memory_space<vmem>>, vector<16xf32>,
      %get3A_604 = arith.constant 9 : i32
      %get3A_605 = arith.index_cast %get3A_604 : i32 to index
      %get3A_606 = arith.constant 16 : index
      %get3A_607 = tpu.vector_load %arg7[%get3A_605, %get3A_606] {strides = array<i32>} : memref<13x128xf32, #tpu.memory_space<vmem>>, vector<16xf32>,
      %swap3A_608 = arith.constant 9 : i32
      %swap3A_609 = arith.index_cast %swap3A_608 : i32 to index
      %swap3A_610 = arith.constant 16 : index
      %swap3A_611 = tpu.vector_load %arg12[%swap3A_609, %swap3A_610] {strides = array<i32>} : memref<845x128xf32, #tpu.memory_space<vmem>>, vector<16xf32>,
      tpu.vector_store %arg12[%swap3A_609, %swap3A_610], %get3A_607 {strides = array<i32>} : memref<845x128xf32, #tpu.memory_space<vmem>>, vector<16xf32>,
      %get3A_612 = arith.constant 9 : i32
      %get3A_613 = arith.index_cast %get3A_612 : i32 to index
      %get3A_614 = arith.constant 32 : index
      %get3A_615 = tpu.vector_load %arg7[%get3A_613, %get3A_614] {strides = array<i32>} : memref<13x128xf32, #tpu.memory_space<vmem>>, vector<16xf32>,
      %swap3A_616 = arith.constant 9 : i32
      %swap3A_617 = arith.index_cast %swap3A_616 : i32 to index
      %swap3A_618 = arith.constant 32 : index
      %swap3A_619 = tpu.vector_load %arg12[%swap3A_617, %swap3A_618] {strides = array<i32>} : memref<845x128xf32, #tpu.memory_space<vmem>>, vector<16xf32>,
      tpu.vector_store %arg12[%swap3A_617, %swap3A_618], %get3A_615 {strides = array<i32>} : memref<845x128xf32, #tpu.memory_space<vmem>>, vector<16xf32>,
      %get3A_620 = arith.constant 9 : i32
      %get3A_621 = arith.index_cast %get3A_620 : i32 to index
      %get3A_622 = arith.constant 48 : index
      %get3A_623 = tpu.vector_load %arg7[%get3A_621, %get3A_622] {strides = array<i32>} : memref<13x128xf32, #tpu.memory_space<vmem>>, vector<16xf32>,
      %swap3A_624 = arith.constant 9 : i32
      %swap3A_625 = arith.index_cast %swap3A_624 : i32 to index
      %swap3A_626 = arith.constant 48 : index
      %swap3A_627 = tpu.vector_load %arg12[%swap3A_625, %swap3A_626] {strides = array<i32>} : memref<845x128xf32, #tpu.memory_space<vmem>>, vector<16xf32>,
      tpu.vector_store %arg12[%swap3A_625, %swap3A_626], %get3A_623 {strides = array<i32>} : memref<845x128xf32, #tpu.memory_space<vmem>>, vector<16xf32>,
      %get3A_628 = arith.constant 9 : i32
      %get3A_629 = arith.index_cast %get3A_628 : i32 to index
      %get3A_630 = arith.constant 64 : index
      %get3A_631 = tpu.vector_load %arg7[%get3A_629, %get3A_630] {strides = array<i32>} : memref<13x128xf32, #tpu.memory_space<vmem>>, vector<16xf32>,
      %swap3A_632 = arith.constant 9 : i32
      %swap3A_633 = arith.index_cast %swap3A_632 : i32 to index
      %swap3A_634 = arith.constant 64 : index
      %swap3A_635 = tpu.vector_load %arg12[%swap3A_633, %swap3A_634] {strides = array<i32>} : memref<845x128xf32, #tpu.memory_space<vmem>>, vector<16xf32>,
      tpu.vector_store %arg12[%swap3A_633, %swap3A_634], %get3A_631 {strides = array<i32>} : memref<845x128xf32, #tpu.memory_space<vmem>>, vector<16xf32>,
      %get3A_636 = arith.constant 9 : i32
      %get3A_637 = arith.index_cast %get3A_636 : i32 to index
      %get3A_638 = arith.constant 80 : index
      %get3A_639 = tpu.vector_load %arg7[%get3A_637, %get3A_638] {strides = array<i32>} : memref<13x128xf32, #tpu.memory_space<vmem>>, vector<16xf32>,
      %swap3A_640 = arith.constant 9 : i32
      %swap3A_641 = arith.index_cast %swap3A_640 : i32 to index
      %swap3A_642 = arith.constant 80 : index
      %swap3A_643 = tpu.vector_load %arg12[%swap3A_641, %swap3A_642] {strides = array<i32>} : memref<845x128xf32, #tpu.memory_space<vmem>>, vector<16xf32>,
      tpu.vector_store %arg12[%swap3A_641, %swap3A_642], %get3A_639 {strides = array<i32>} : memref<845x128xf32, #tpu.memory_space<vmem>>, vector<16xf32>,
      %get3A_644 = arith.constant 9 : i32
      %get3A_645 = arith.index_cast %get3A_644 : i32 to index
      %get3A_646 = arith.constant 96 : index
      %get3A_647 = tpu.vector_load %arg7[%get3A_645, %get3A_646] {strides = array<i32>} : memref<13x128xf32, #tpu.memory_space<vmem>>, vector<16xf32>,
      %swap3A_648 = arith.constant 9 : i32
      %swap3A_649 = arith.index_cast %swap3A_648 : i32 to index
      %swap3A_650 = arith.constant 96 : index
      %swap3A_651 = tpu.vector_load %arg12[%swap3A_649, %swap3A_650] {strides = array<i32>} : memref<845x128xf32, #tpu.memory_space<vmem>>, vector<16xf32>,
      tpu.vector_store %arg12[%swap3A_649, %swap3A_650], %get3A_647 {strides = array<i32>} : memref<845x128xf32, #tpu.memory_space<vmem>>, vector<16xf32>,
      %get3A_652 = arith.constant 9 : i32
      %get3A_653 = arith.index_cast %get3A_652 : i32 to index
      %get3A_654 = arith.constant 112 : index
      %get3A_655 = tpu.vector_load %arg7[%get3A_653, %get3A_654] {strides = array<i32>} : memref<13x128xf32, #tpu.memory_space<vmem>>, vector<16xf32>,
      %swap3A_656 = arith.constant 9 : i32
      %swap3A_657 = arith.index_cast %swap3A_656 : i32 to index
      %swap3A_658 = arith.constant 112 : index
      %swap3A_659 = tpu.vector_load %arg12[%swap3A_657, %swap3A_658] {strides = array<i32>} : memref<845x128xf32, #tpu.memory_space<vmem>>, vector<16xf32>,
      tpu.vector_store %arg12[%swap3A_657, %swap3A_658], %get3A_655 {strides = array<i32>} : memref<845x128xf32, #tpu.memory_space<vmem>>, vector<16xf32>,
      %get3A_660 = arith.constant 10 : i32
      %get3A_661 = arith.index_cast %get3A_660 : i32 to index
      %get3A_662 = arith.constant 0 : index
      %get3A_663 = tpu.vector_load %arg7[%get3A_661, %get3A_662] {strides = array<i32>} : memref<13x128xf32, #tpu.memory_space<vmem>>, vector<16xf32>,
      %swap3A_664 = arith.constant 10 : i32
      %swap3A_665 = arith.index_cast %swap3A_664 : i32 to index
      %swap3A_666 = arith.constant 0 : index
      %swap3A_667 = tpu.vector_load %arg12[%swap3A_665, %swap3A_666] {strides = array<i32>} : memref<845x128xf32, #tpu.memory_space<vmem>>, vector<16xf32>,
      tpu.vector_store %arg12[%swap3A_665, %swap3A_666], %get3A_663 {strides = array<i32>} : memref<845x128xf32, #tpu.memory_space<vmem>>, vector<16xf32>,
      %get3A_668 = arith.constant 10 : i32
      %get3A_669 = arith.index_cast %get3A_668 : i32 to index
      %get3A_670 = arith.constant 16 : index
      %get3A_671 = tpu.vector_load %arg7[%get3A_669, %get3A_670] {strides = array<i32>} : memref<13x128xf32, #tpu.memory_space<vmem>>, vector<16xf32>,
      %swap3A_672 = arith.constant 10 : i32
      %swap3A_673 = arith.index_cast %swap3A_672 : i32 to index
      %swap3A_674 = arith.constant 16 : index
      %swap3A_675 = tpu.vector_load %arg12[%swap3A_673, %swap3A_674] {strides = array<i32>} : memref<845x128xf32, #tpu.memory_space<vmem>>, vector<16xf32>,
      tpu.vector_store %arg12[%swap3A_673, %swap3A_674], %get3A_671 {strides = array<i32>} : memref<845x128xf32, #tpu.memory_space<vmem>>, vector<16xf32>,
      %get3A_676 = arith.constant 10 : i32
      %get3A_677 = arith.index_cast %get3A_676 : i32 to index
      %get3A_678 = arith.constant 32 : index
      %get3A_679 = tpu.vector_load %arg7[%get3A_677, %get3A_678] {strides = array<i32>} : memref<13x128xf32, #tpu.memory_space<vmem>>, vector<16xf32>,
      %swap3A_680 = arith.constant 10 : i32
      %swap3A_681 = arith.index_cast %swap3A_680 : i32 to index
      %swap3A_682 = arith.constant 32 : index
      %swap3A_683 = tpu.vector_load %arg12[%swap3A_681, %swap3A_682] {strides = array<i32>} : memref<845x128xf32, #tpu.memory_space<vmem>>, vector<16xf32>,
      tpu.vector_store %arg12[%swap3A_681, %swap3A_682], %get3A_679 {strides = array<i32>} : memref<845x128xf32, #tpu.memory_space<vmem>>, vector<16xf32>,
      %get3A_684 = arith.constant 10 : i32
      %get3A_685 = arith.index_cast %get3A_684 : i32 to index
      %get3A_686 = arith.constant 48 : index
      %get3A_687 = tpu.vector_load %arg7[%get3A_685, %get3A_686] {strides = array<i32>} : memref<13x128xf32, #tpu.memory_space<vmem>>, vector<16xf32>,
      %swap3A_688 = arith.constant 10 : i32
      %swap3A_689 = arith.index_cast %swap3A_688 : i32 to index
      %swap3A_690 = arith.constant 48 : index
      %swap3A_691 = tpu.vector_load %arg12[%swap3A_689, %swap3A_690] {strides = array<i32>} : memref<845x128xf32, #tpu.memory_space<vmem>>, vector<16xf32>,
      tpu.vector_store %arg12[%swap3A_689, %swap3A_690], %get3A_687 {strides = array<i32>} : memref<845x128xf32, #tpu.memory_space<vmem>>, vector<16xf32>,
      %get3A_692 = arith.constant 10 : i32
      %get3A_693 = arith.index_cast %get3A_692 : i32 to index
      %get3A_694 = arith.constant 64 : index
      %get3A_695 = tpu.vector_load %arg7[%get3A_693, %get3A_694] {strides = array<i32>} : memref<13x128xf32, #tpu.memory_space<vmem>>, vector<16xf32>,
      %swap3A_696 = arith.constant 10 : i32
      %swap3A_697 = arith.index_cast %swap3A_696 : i32 to index
      %swap3A_698 = arith.constant 64 : index
      %swap3A_699 = tpu.vector_load %arg12[%swap3A_697, %swap3A_698] {strides = array<i32>} : memref<845x128xf32, #tpu.memory_space<vmem>>, vector<16xf32>,
      tpu.vector_store %arg12[%swap3A_697, %swap3A_698], %get3A_695 {strides = array<i32>} : memref<845x128xf32, #tpu.memory_space<vmem>>, vector<16xf32>,
      %get3A_700 = arith.constant 10 : i32
      %get3A_701 = arith.index_cast %get3A_700 : i32 to index
      %get3A_702 = arith.constant 80 : index
      %get3A_703 = tpu.vector_load %arg7[%get3A_701, %get3A_702] {strides = array<i32>} : memref<13x128xf32, #tpu.memory_space<vmem>>, vector<16xf32>,
      %swap3A_704 = arith.constant 10 : i32
      %swap3A_705 = arith.index_cast %swap3A_704 : i32 to index
      %swap3A_706 = arith.constant 80 : index
      %swap3A_707 = tpu.vector_load %arg12[%swap3A_705, %swap3A_706] {strides = array<i32>} : memref<845x128xf32, #tpu.memory_space<vmem>>, vector<16xf32>,
      tpu.vector_store %arg12[%swap3A_705, %swap3A_706], %get3A_703 {strides = array<i32>} : memref<845x128xf32, #tpu.memory_space<vmem>>, vector<16xf32>,
      %get3A_708 = arith.constant 10 : i32
      %get3A_709 = arith.index_cast %get3A_708 : i32 to index
      %get3A_710 = arith.constant 96 : index
      %get3A_711 = tpu.vector_load %arg7[%get3A_709, %get3A_710] {strides = array<i32>} : memref<13x128xf32, #tpu.memory_space<vmem>>, vector<16xf32>,
      %swap3A_712 = arith.constant 10 : i32
      %swap3A_713 = arith.index_cast %swap3A_712 : i32 to index
      %swap3A_714 = arith.constant 96 : index
      %swap3A_715 = tpu.vector_load %arg12[%swap3A_713, %swap3A_714] {strides = array<i32>} : memref<845x128xf32, #tpu.memory_space<vmem>>, vector<16xf32>,
      tpu.vector_store %arg12[%swap3A_713, %swap3A_714], %get3A_711 {strides = array<i32>} : memref<845x128xf32, #tpu.memory_space<vmem>>, vector<16xf32>,
      %get3A_716 = arith.constant 10 : i32
      %get3A_717 = arith.index_cast %get3A_716 : i32 to index
      %get3A_718 = arith.constant 112 : index
      %get3A_719 = tpu.vector_load %arg7[%get3A_717, %get3A_718] {strides = array<i32>} : memref<13x128xf32, #tpu.memory_space<vmem>>, vector<16xf32>,
      %swap3A_720 = arith.constant 10 : i32
      %swap3A_721 = arith.index_cast %swap3A_720 : i32 to index
      %swap3A_722 = arith.constant 112 : index
      %swap3A_723 = tpu.vector_load %arg12[%swap3A_721, %swap3A_722] {strides = array<i32>} : memref<845x128xf32, #tpu.memory_space<vmem>>, vector<16xf32>,
      tpu.vector_store %arg12[%swap3A_721, %swap3A_722], %get3A_719 {strides = array<i32>} : memref<845x128xf32, #tpu.memory_space<vmem>>, vector<16xf32>,
      %get3A_724 = arith.constant 11 : i32
      %get3A_725 = arith.index_cast %get3A_724 : i32 to index
      %get3A_726 = arith.constant 0 : index
      %get3A_727 = tpu.vector_load %arg7[%get3A_725, %get3A_726] {strides = array<i32>} : memref<13x128xf32, #tpu.memory_space<vmem>>, vector<16xf32>,
      %swap3A_728 = arith.constant 11 : i32
      %swap3A_729 = arith.index_cast %swap3A_728 : i32 to index
      %swap3A_730 = arith.constant 0 : index
      %swap3A_731 = tpu.vector_load %arg12[%swap3A_729, %swap3A_730] {strides = array<i32>} : memref<845x128xf32, #tpu.memory_space<vmem>>, vector<16xf32>,
      tpu.vector_store %arg12[%swap3A_729, %swap3A_730], %get3A_727 {strides = array<i32>} : memref<845x128xf32, #tpu.memory_space<vmem>>, vector<16xf32>,
      %get3A_732 = arith.constant 11 : i32
      %get3A_733 = arith.index_cast %get3A_732 : i32 to index
      %get3A_734 = arith.constant 16 : index
      %get3A_735 = tpu.vector_load %arg7[%get3A_733, %get3A_734] {strides = array<i32>} : memref<13x128xf32, #tpu.memory_space<vmem>>, vector<16xf32>,
      %swap3A_736 = arith.constant 11 : i32
      %swap3A_737 = arith.index_cast %swap3A_736 : i32 to index
      %swap3A_738 = arith.constant 16 : index
      %swap3A_739 = tpu.vector_load %arg12[%swap3A_737, %swap3A_738] {strides = array<i32>} : memref<845x128xf32, #tpu.memory_space<vmem>>, vector<16xf32>,
      tpu.vector_store %arg12[%swap3A_737, %swap3A_738], %get3A_735 {strides = array<i32>} : memref<845x128xf32, #tpu.memory_space<vmem>>, vector<16xf32>,
      %get3A_740 = arith.constant 11 : i32
      %get3A_741 = arith.index_cast %get3A_740 : i32 to index
      %get3A_742 = arith.constant 32 : index
      %get3A_743 = tpu.vector_load %arg7[%get3A_741, %get3A_742] {strides = array<i32>} : memref<13x128xf32, #tpu.memory_space<vmem>>, vector<16xf32>,
      %swap3A_744 = arith.constant 11 : i32
      %swap3A_745 = arith.index_cast %swap3A_744 : i32 to index
      %swap3A_746 = arith.constant 32 : index
      %swap3A_747 = tpu.vector_load %arg12[%swap3A_745, %swap3A_746] {strides = array<i32>} : memref<845x128xf32, #tpu.memory_space<vmem>>, vector<16xf32>,
      tpu.vector_store %arg12[%swap3A_745, %swap3A_746], %get3A_743 {strides = array<i32>} : memref<845x128xf32, #tpu.memory_space<vmem>>, vector<16xf32>,
      %get3A_748 = arith.constant 11 : i32
      %get3A_749 = arith.index_cast %get3A_748 : i32 to index
      %get3A_750 = arith.constant 48 : index
      %get3A_751 = tpu.vector_load %arg7[%get3A_749, %get3A_750] {strides = array<i32>} : memref<13x128xf32, #tpu.memory_space<vmem>>, vector<16xf32>,
      %swap3A_752 = arith.constant 11 : i32
      %swap3A_753 = arith.index_cast %swap3A_752 : i32 to index
      %swap3A_754 = arith.constant 48 : index
      %swap3A_755 = tpu.vector_load %arg12[%swap3A_753, %swap3A_754] {strides = array<i32>} : memref<845x128xf32, #tpu.memory_space<vmem>>, vector<16xf32>,
      tpu.vector_store %arg12[%swap3A_753, %swap3A_754], %get3A_751 {strides = array<i32>} : memref<845x128xf32, #tpu.memory_space<vmem>>, vector<16xf32>,
      %get3A_756 = arith.constant 11 : i32
      %get3A_757 = arith.index_cast %get3A_756 : i32 to index
      %get3A_758 = arith.constant 64 : index
      %get3A_759 = tpu.vector_load %arg7[%get3A_757, %get3A_758] {strides = array<i32>} : memref<13x128xf32, #tpu.memory_space<vmem>>, vector<16xf32>,
      %swap3A_760 = arith.constant 11 : i32
      %swap3A_761 = arith.index_cast %swap3A_760 : i32 to index
      %swap3A_762 = arith.constant 64 : index
      %swap3A_763 = tpu.vector_load %arg12[%swap3A_761, %swap3A_762] {strides = array<i32>} : memref<845x128xf32, #tpu.memory_space<vmem>>, vector<16xf32>,
      tpu.vector_store %arg12[%swap3A_761, %swap3A_762], %get3A_759 {strides = array<i32>} : memref<845x128xf32, #tpu.memory_space<vmem>>, vector<16xf32>,
      %get3A_764 = arith.constant 11 : i32
      %get3A_765 = arith.index_cast %get3A_764 : i32 to index
      %get3A_766 = arith.constant 80 : index
      %get3A_767 = tpu.vector_load %arg7[%get3A_765, %get3A_766] {strides = array<i32>} : memref<13x128xf32, #tpu.memory_space<vmem>>, vector<16xf32>,
      %swap3A_768 = arith.constant 11 : i32
      %swap3A_769 = arith.index_cast %swap3A_768 : i32 to index
      %swap3A_770 = arith.constant 80 : index
      %swap3A_771 = tpu.vector_load %arg12[%swap3A_769, %swap3A_770] {strides = array<i32>} : memref<845x128xf32, #tpu.memory_space<vmem>>, vector<16xf32>,
      tpu.vector_store %arg12[%swap3A_769, %swap3A_770], %get3A_767 {strides = array<i32>} : memref<845x128xf32, #tpu.memory_space<vmem>>, vector<16xf32>,
      %get3A_772 = arith.constant 11 : i32
      %get3A_773 = arith.index_cast %get3A_772 : i32 to index
      %get3A_774 = arith.constant 96 : index
      %get3A_775 = tpu.vector_load %arg7[%get3A_773, %get3A_774] {strides = array<i32>} : memref<13x128xf32, #tpu.memory_space<vmem>>, vector<16xf32>,
      %swap3A_776 = arith.constant 11 : i32
      %swap3A_777 = arith.index_cast %swap3A_776 : i32 to index
      %swap3A_778 = arith.constant 96 : index
      %swap3A_779 = tpu.vector_load %arg12[%swap3A_777, %swap3A_778] {strides = array<i32>} : memref<845x128xf32, #tpu.memory_space<vmem>>, vector<16xf32>,
      tpu.vector_store %arg12[%swap3A_777, %swap3A_778], %get3A_775 {strides = array<i32>} : memref<845x128xf32, #tpu.memory_space<vmem>>, vector<16xf32>,
      %get3A_780 = arith.constant 11 : i32
      %get3A_781 = arith.index_cast %get3A_780 : i32 to index
      %get3A_782 = arith.constant 112 : index
      %get3A_783 = tpu.vector_load %arg7[%get3A_781, %get3A_782] {strides = array<i32>} : memref<13x128xf32, #tpu.memory_space<vmem>>, vector<16xf32>,
      %swap3A_784 = arith.constant 11 : i32
      %swap3A_785 = arith.index_cast %swap3A_784 : i32 to index
      %swap3A_786 = arith.constant 112 : index
      %swap3A_787 = tpu.vector_load %arg12[%swap3A_785, %swap3A_786] {strides = array<i32>} : memref<845x128xf32, #tpu.memory_space<vmem>>, vector<16xf32>,
      tpu.vector_store %arg12[%swap3A_785, %swap3A_786], %get3A_783 {strides = array<i32>} : memref<845x128xf32, #tpu.memory_space<vmem>>, vector<16xf32>,
      %get3A_788 = arith.constant 12 : i32
      %get3A_789 = arith.index_cast %get3A_788 : i32 to index
      %get3A_790 = arith.constant 0 : index
      %get3A_791 = tpu.vector_load %arg7[%get3A_789, %get3A_790] {strides = array<i32>} : memref<13x128xf32, #tpu.memory_space<vmem>>, vector<16xf32>,
      %swap3A_792 = arith.constant 12 : i32
      %swap3A_793 = arith.index_cast %swap3A_792 : i32 to index
      %swap3A_794 = arith.constant 0 : index
      %swap3A_795 = tpu.vector_load %arg12[%swap3A_793, %swap3A_794] {strides = array<i32>} : memref<845x128xf32, #tpu.memory_space<vmem>>, vector<16xf32>,
      tpu.vector_store %arg12[%swap3A_793, %swap3A_794], %get3A_791 {strides = array<i32>} : memref<845x128xf32, #tpu.memory_space<vmem>>, vector<16xf32>,
      %get3A_796 = arith.constant 12 : i32
      %get3A_797 = arith.index_cast %get3A_796 : i32 to index
      %get3A_798 = arith.constant 16 : index
      %get3A_799 = tpu.vector_load %arg7[%get3A_797, %get3A_798] {strides = array<i32>} : memref<13x128xf32, #tpu.memory_space<vmem>>, vector<16xf32>,
      %swap3A_800 = arith.constant 12 : i32
      %swap3A_801 = arith.index_cast %swap3A_800 : i32 to index
      %swap3A_802 = arith.constant 16 : index
      %swap3A_803 = tpu.vector_load %arg12[%swap3A_801, %swap3A_802] {strides = array<i32>} : memref<845x128xf32, #tpu.memory_space<vmem>>, vector<16xf32>,
      tpu.vector_store %arg12[%swap3A_801, %swap3A_802], %get3A_799 {strides = array<i32>} : memref<845x128xf32, #tpu.memory_space<vmem>>, vector<16xf32>,
      %get3A_804 = arith.constant 12 : i32
      %get3A_805 = arith.index_cast %get3A_804 : i32 to index
      %get3A_806 = arith.constant 32 : index
      %get3A_807 = tpu.vector_load %arg7[%get3A_805, %get3A_806] {strides = array<i32>} : memref<13x128xf32, #tpu.memory_space<vmem>>, vector<16xf32>,
      %swap3A_808 = arith.constant 12 : i32
      %swap3A_809 = arith.index_cast %swap3A_808 : i32 to index
      %swap3A_810 = arith.constant 32 : index
      %swap3A_811 = tpu.vector_load %arg12[%swap3A_809, %swap3A_810] {strides = array<i32>} : memref<845x128xf32, #tpu.memory_space<vmem>>, vector<16xf32>,
      tpu.vector_store %arg12[%swap3A_809, %swap3A_810], %get3A_807 {strides = array<i32>} : memref<845x128xf32, #tpu.memory_space<vmem>>, vector<16xf32>,
      %get3A_812 = arith.constant 12 : i32
      %get3A_813 = arith.index_cast %get3A_812 : i32 to index
      %get3A_814 = arith.constant 48 : index
      %get3A_815 = tpu.vector_load %arg7[%get3A_813, %get3A_814] {strides = array<i32>} : memref<13x128xf32, #tpu.memory_space<vmem>>, vector<16xf32>,
      %swap3A_816 = arith.constant 12 : i32
      %swap3A_817 = arith.index_cast %swap3A_816 : i32 to index
      %swap3A_818 = arith.constant 48 : index
      %swap3A_819 = tpu.vector_load %arg12[%swap3A_817, %swap3A_818] {strides = array<i32>} : memref<845x128xf32, #tpu.memory_space<vmem>>, vector<16xf32>,
      tpu.vector_store %arg12[%swap3A_817, %swap3A_818], %get3A_815 {strides = array<i32>} : memref<845x128xf32, #tpu.memory_space<vmem>>, vector<16xf32>,
      %get3A_820 = arith.constant 12 : i32
      %get3A_821 = arith.index_cast %get3A_820 : i32 to index
      %get3A_822 = arith.constant 64 : index
      %get3A_823 = tpu.vector_load %arg7[%get3A_821, %get3A_822] {strides = array<i32>} : memref<13x128xf32, #tpu.memory_space<vmem>>, vector<16xf32>,
      %swap3A_824 = arith.constant 12 : i32
      %swap3A_825 = arith.index_cast %swap3A_824 : i32 to index
      %swap3A_826 = arith.constant 64 : index
      %swap3A_827 = tpu.vector_load %arg12[%swap3A_825, %swap3A_826] {strides = array<i32>} : memref<845x128xf32, #tpu.memory_space<vmem>>, vector<16xf32>,
      tpu.vector_store %arg12[%swap3A_825, %swap3A_826], %get3A_823 {strides = array<i32>} : memref<845x128xf32, #tpu.memory_space<vmem>>, vector<16xf32>,
      %get3A_828 = arith.constant 12 : i32
      %get3A_829 = arith.index_cast %get3A_828 : i32 to index
      %get3A_830 = arith.constant 80 : index
      %get3A_831 = tpu.vector_load %arg7[%get3A_829, %get3A_830] {strides = array<i32>} : memref<13x128xf32, #tpu.memory_space<vmem>>, vector<16xf32>,
      %swap3A_832 = arith.constant 12 : i32
      %swap3A_833 = arith.index_cast %swap3A_832 : i32 to index
      %swap3A_834 = arith.constant 80 : index
      %swap3A_835 = tpu.vector_load %arg12[%swap3A_833, %swap3A_834] {strides = array<i32>} : memref<845x128xf32, #tpu.memory_space<vmem>>, vector<16xf32>,
      tpu.vector_store %arg12[%swap3A_833, %swap3A_834], %get3A_831 {strides = array<i32>} : memref<845x128xf32, #tpu.memory_space<vmem>>, vector<16xf32>,
      %get3A_836 = arith.constant 12 : i32
      %get3A_837 = arith.index_cast %get3A_836 : i32 to index
      %get3A_838 = arith.constant 96 : index
      %get3A_839 = tpu.vector_load %arg7[%get3A_837, %get3A_838] {strides = array<i32>} : memref<13x128xf32, #tpu.memory_space<vmem>>, vector<16xf32>,
      %swap3A_840 = arith.constant 12 : i32
      %swap3A_841 = arith.index_cast %swap3A_840 : i32 to index
      %swap3A_842 = arith.constant 96 : index
      %swap3A_843 = tpu.vector_load %arg12[%swap3A_841, %swap3A_842] {strides = array<i32>} : memref<845x128xf32, #tpu.memory_space<vmem>>, vector<16xf32>,
      tpu.vector_store %arg12[%swap3A_841, %swap3A_842], %get3A_839 {strides = array<i32>} : memref<845x128xf32, #tpu.memory_space<vmem>>, vector<16xf32>,
      %get3A_844 = arith.constant 12 : i32
      %get3A_845 = arith.index_cast %get3A_844 : i32 to index
      %get3A_846 = arith.constant 112 : index
      %get3A_847 = tpu.vector_load %arg7[%get3A_845, %get3A_846] {strides = array<i32>} : memref<13x128xf32, #tpu.memory_space<vmem>>, vector<16xf32>,
      %swap3A_848 = arith.constant 12 : i32
      %swap3A_849 = arith.index_cast %swap3A_848 : i32 to index
      %swap3A_850 = arith.constant 112 : index
      %swap3A_851 = tpu.vector_load %arg12[%swap3A_849, %swap3A_850] {strides = array<i32>} : memref<845x128xf32, #tpu.memory_space<vmem>>, vector<16xf32>,
      tpu.vector_store %arg12[%swap3A_849, %swap3A_850], %get3A_847 {strides = array<i32>} : memref<845x128xf32, #tpu.memory_space<vmem>>, vector<16xf32>,
      %get3A_852 = arith.constant 0 : i32
      %get3A_853 = arith.index_cast %get3A_852 : i32 to index
      %get3A_854 = arith.constant 0 : index
      %get3A_855 = tpu.vector_load %arg6[%get3A_853, %get3A_854] {strides = array<i32>} : memref<26x128xi32, #tpu.memory_space<vmem>>, vector<16xi32>,
      %shift_right_logical3A = arith.constant 2 : i32
      %shift_right_logical3A_856 = vector.broadcast %shift_right_logical3A : i32 to vector<16xi32>
      %shift_right_logical3A_857 = arith.shrui %get3A_855, %shift_right_logical3A_856 : vector<16xi32>
      %add3A_858 = arith.constant 0 : i32
      %add3A_859 = vector.broadcast %add3A_858 : i32 to vector<16xi32>
      %add3A_860 = arith.addi %shift_right_logical3A_857, %add3A_859 : vector<16xi32>
      %swap3A_861 = arith.constant 0 : index
      %swap3A_862 = tpu.vector_load %arg8[%swap3A_861] {strides = array<i32>} : memref<32xi32, #tpu.memory_space<vmem>>, vector<16xi32>,
      tpu.vector_store %arg8[%swap3A_861], %add3A_860 {strides = array<i32>} : memref<32xi32, #tpu.memory_space<vmem>>, vector<16xi32>,
      %get3A_863 = arith.constant 0 : i32
      %get3A_864 = arith.index_cast %get3A_863 : i32 to index
      %get3A_865 = arith.constant 16 : index
      %get3A_866 = tpu.vector_load %arg6[%get3A_864, %get3A_865] {strides = array<i32>} : memref<26x128xi32, #tpu.memory_space<vmem>>, vector<16xi32>,
      %shift_right_logical3A_867 = arith.constant 2 : i32
      %shift_right_logical3A_868 = vector.broadcast %shift_right_logical3A_867 : i32 to vector<16xi32>
      %shift_right_logical3A_869 = arith.shrui %get3A_866, %shift_right_logical3A_868 : vector<16xi32>
      %add3A_870 = arith.constant 0 : i32
      %add3A_871 = vector.broadcast %add3A_870 : i32 to vector<16xi32>
      %add3A_872 = arith.addi %shift_right_logical3A_869, %add3A_871 : vector<16xi32>
      %swap3A_873 = arith.constant 16 : index
      %swap3A_874 = tpu.vector_load %arg8[%swap3A_873] {strides = array<i32>} : memref<32xi32, #tpu.memory_space<vmem>>, vector<16xi32>,
      tpu.vector_store %arg8[%swap3A_873], %add3A_872 {strides = array<i32>} : memref<32xi32, #tpu.memory_space<vmem>>, vector<16xi32>,
      %dma_start3A = arith.constant 0 : i32
      %dma_start3A_875 = arith.constant 0 : i32
      %dma_start3A_876 = tpu.memref_slice %arg4[%dma_start3A, %dma_start3A_875] : memref<650000x128xf32, #tpu.memory_space<hbm>> -> memref<650000x128xf32, #tpu.memory_space<hbm>>
      tpu.enqueue_indirect_dma source(%dma_start3A_876 : memref<650000x128xf32, #tpu.memory_space<hbm>>) target(%arg10 : memref<32x128xf32, #tpu.memory_space<vmem>>) offsets(%arg8 : memref<32xi32, #tpu.memory_space<vmem>>) semaphore(%arg13 : memref<!tpu.dma_semaphore, #tpu.memory_space<semaphore_mem>>)
      %get3A_877 = arith.constant 0 : i32
      %get3A_878 = arith.index_cast %get3A_877 : i32 to index
      %get3A_879 = arith.constant 32 : index
      %get3A_880 = tpu.vector_load %arg6[%get3A_878, %get3A_879] {strides = array<i32>} : memref<26x128xi32, #tpu.memory_space<vmem>>, vector<16xi32>,
      %shift_right_logical3A_881 = arith.constant 2 : i32
      %shift_right_logical3A_882 = vector.broadcast %shift_right_logical3A_881 : i32 to vector<16xi32>
      %shift_right_logical3A_883 = arith.shrui %get3A_880, %shift_right_logical3A_882 : vector<16xi32>
      %add3A_884 = arith.constant 0 : i32
      %add3A_885 = vector.broadcast %add3A_884 : i32 to vector<16xi32>
      %add3A_886 = arith.addi %shift_right_logical3A_883, %add3A_885 : vector<16xi32>
      %swap3A_887 = arith.constant 0 : index
      %swap3A_888 = tpu.vector_load %arg9[%swap3A_887] {strides = array<i32>} : memref<32xi32, #tpu.memory_space<vmem>>, vector<16xi32>,
      tpu.vector_store %arg9[%swap3A_887], %add3A_886 {strides = array<i32>} : memref<32xi32, #tpu.memory_space<vmem>>, vector<16xi32>,
      %get3A_889 = arith.constant 0 : i32
      %get3A_890 = arith.index_cast %get3A_889 : i32 to index
      %get3A_891 = arith.constant 48 : index
      %get3A_892 = tpu.vector_load %arg6[%get3A_890, %get3A_891] {strides = array<i32>} : memref<26x128xi32, #tpu.memory_space<vmem>>, vector<16xi32>,
      %shift_right_logical3A_893 = arith.constant 2 : i32
      %shift_right_logical3A_894 = vector.broadcast %shift_right_logical3A_893 : i32 to vector<16xi32>
      %shift_right_logical3A_895 = arith.shrui %get3A_892, %shift_right_logical3A_894 : vector<16xi32>
      %add3A_896 = arith.constant 0 : i32
      %add3A_897 = vector.broadcast %add3A_896 : i32 to vector<16xi32>
      %add3A_898 = arith.addi %shift_right_logical3A_895, %add3A_897 : vector<16xi32>
      %swap3A_899 = arith.constant 16 : index
      %swap3A_900 = tpu.vector_load %arg9[%swap3A_899] {strides = array<i32>} : memref<32xi32, #tpu.memory_space<vmem>>, vector<16xi32>,
      tpu.vector_store %arg9[%swap3A_899], %add3A_898 {strides = array<i32>} : memref<32xi32, #tpu.memory_space<vmem>>, vector<16xi32>,
      %dma_start3A_901 = arith.constant 0 : i32
      %dma_start3A_902 = arith.constant 0 : i32
      %dma_start3A_903 = tpu.memref_slice %arg4[%dma_start3A_901, %dma_start3A_902] : memref<650000x128xf32, #tpu.memory_space<hbm>> -> memref<650000x128xf32, #tpu.memory_space<hbm>>
      tpu.enqueue_indirect_dma source(%dma_start3A_903 : memref<650000x128xf32, #tpu.memory_space<hbm>>) target(%arg11 : memref<32x128xf32, #tpu.memory_space<vmem>>) offsets(%arg9 : memref<32xi32, #tpu.memory_space<vmem>>) semaphore(%arg14 : memref<!tpu.dma_semaphore, #tpu.memory_space<semaphore_mem>>)
      %scan3A_904 = arith.constant 0 : i32
      %scan3A_905 = arith.constant 26 : i32
      %scan3A_906 = arith.addi %scan3A_904, %scan3A_905 : i32
      %scan3A_907 = arith.constant 1 : i32
      scf.for %scan3A_913 = %scan3A_904 to %scan3A_906 step %scan3A_907  : i32 {
        %mul3A_914 = arith.constant 1 : i32
        %mul3A_915 = arith.muli %scan3A_913, %mul3A_914 : i32
        %add3A_916 = arith.constant 0 : i32
        %add3A_917 = arith.addi %add3A_916, %mul3A_915 : i32
        %dma_wait3A_918 = arith.constant 0 : i32
        %dma_wait3A_919 = arith.constant 0 : i32
        %dma_wait3A_920 = tpu.memref_slice %arg4[%dma_wait3A_918, %dma_wait3A_919] : memref<650000x128xf32, #tpu.memory_space<hbm>> -> memref<32x128xf32, #tpu.memory_space<hbm>>
        %dma_wait3A_921 = arith.constant 0 : i32
        %dma_wait3A_922 = arith.constant 0 : i32
        %dma_wait3A_923 = tpu.memref_slice %arg4[%dma_wait3A_921, %dma_wait3A_922] : memref<650000x128xf32, #tpu.memory_space<hbm>> -> memref<32x128xf32, #tpu.memory_space<hbm>>
        tpu.wait_dma2 semaphore(%arg13 : memref<!tpu.dma_semaphore, #tpu.memory_space<semaphore_mem>>) src(%dma_wait3A_923 : memref<32x128xf32, #tpu.memory_space<hbm>>) dst(%arg10 : memref<32x128xf32, #tpu.memory_space<vmem>>)
        %mul3A_924 = arith.constant 32 : i32
        %mul3A_925 = arith.muli %add3A_917, %mul3A_924 : i32
        %add3A_926 = arith.constant 13 : i32
        %add3A_927 = arith.addi %add3A_926, %mul3A_925 : i32
        %add3A_928 = arith.constant 0 : i32
        %add3A_929 = vector.broadcast %add3A_928 : i32 to vector<16xi32>
        %add3A_930 = arith.addi %iota3A, %add3A_929 : vector<16xi32>
        %get3A_931 = arith.index_cast %add3A_917 : i32 to index
        %get3A_932 = arith.constant 0 : index
        %get3A_933 = tpu.vector_load %arg6[%get3A_931, %get3A_932] {strides = array<i32>} : memref<26x128xi32, #tpu.memory_space<vmem>>, vector<16xi32>,
        %and3A = arith.constant 3 : i32
        %and3A_934 = vector.broadcast %and3A : i32 to vector<16xi32>
        %and3A_935 = arith.andi %get3A_933, %and3A_934 : vector<16xi32>
        %shift_left3A = arith.constant 5 : i32
        %shift_left3A_936 = vector.broadcast %shift_left3A : i32 to vector<16xi32>
        %shift_left3A_937 = arith.shli %and3A_935, %shift_left3A_936 : vector<16xi32>
        %parallel_loop3A = arith.constant 0 : i32
        %parallel_loop3A_938 = arith.constant 32 : i32
        %parallel_loop3A_939 = arith.constant 1 : i32
        scf.for %parallel_loop3A_1138 = %parallel_loop3A to %parallel_loop3A_938 step %parallel_loop3A_939  : i32 {
          %parallel_loop3A_1139 = vector.broadcast %parallel_loop3A_1138 : i32 to vector<16xi32>
          %parallel_loop3A_1140 = arith.addi %shift_left3A_937, %parallel_loop3A_1139 : vector<16xi32>
          %parallel_loop3A_1141 = tpu.vector_load_idx %arg10[%add3A_930, %parallel_loop3A_1140] : memref<32x128xf32, #tpu.memory_space<vmem>>[vector<16xi32>, vector<16xi32>], vector<16xf32>,
          %parallel_loop3A_1142 = arith.addi %add3A_927, %parallel_loop3A_1138 : i32
          %parallel_loop3A_1143 = arith.index_cast %parallel_loop3A_1142 : i32 to index
          %parallel_loop3A_1144 = arith.constant 0 : index
          %parallel_loop3A_1145 = tpu.vector_load %arg12[%parallel_loop3A_1143, %parallel_loop3A_1144] {strides = array<i32>} : memref<845x128xf32, #tpu.memory_space<vmem>>, vector<16xf32>,
          tpu.vector_store %arg12[%parallel_loop3A_1143, %parallel_loop3A_1144], %parallel_loop3A_1141 {strides = array<i32>} : memref<845x128xf32, #tpu.memory_space<vmem>>, vector<16xf32>,
        } {sc.loop_unroll_factor = 8 : i64, sc.parallel_access}
        %add3A_940 = arith.constant 16 : i32
        %add3A_941 = vector.broadcast %add3A_940 : i32 to vector<16xi32>
        %add3A_942 = arith.addi %iota3A, %add3A_941 : vector<16xi32>
        %get3A_943 = arith.index_cast %add3A_917 : i32 to index
        %get3A_944 = arith.constant 16 : index
        %get3A_945 = tpu.vector_load %arg6[%get3A_943, %get3A_944] {strides = array<i32>} : memref<26x128xi32, #tpu.memory_space<vmem>>, vector<16xi32>,
        %and3A_946 = arith.constant 3 : i32
        %and3A_947 = vector.broadcast %and3A_946 : i32 to vector<16xi32>
        %and3A_948 = arith.andi %get3A_945, %and3A_947 : vector<16xi32>
        %shift_left3A_949 = arith.constant 5 : i32
        %shift_left3A_950 = vector.broadcast %shift_left3A_949 : i32 to vector<16xi32>
        %shift_left3A_951 = arith.shli %and3A_948, %shift_left3A_950 : vector<16xi32>
        %parallel_loop3A_952 = arith.constant 0 : i32
        %parallel_loop3A_953 = arith.constant 32 : i32
        %parallel_loop3A_954 = arith.constant 1 : i32
        scf.for %parallel_loop3A_1138 = %parallel_loop3A_952 to %parallel_loop3A_953 step %parallel_loop3A_954  : i32 {
          %parallel_loop3A_1139 = vector.broadcast %parallel_loop3A_1138 : i32 to vector<16xi32>
          %parallel_loop3A_1140 = arith.addi %shift_left3A_951, %parallel_loop3A_1139 : vector<16xi32>
          %parallel_loop3A_1141 = tpu.vector_load_idx %arg10[%add3A_942, %parallel_loop3A_1140] : memref<32x128xf32, #tpu.memory_space<vmem>>[vector<16xi32>, vector<16xi32>], vector<16xf32>,
          %parallel_loop3A_1142 = arith.addi %add3A_927, %parallel_loop3A_1138 : i32
          %parallel_loop3A_1143 = arith.index_cast %parallel_loop3A_1142 : i32 to index
          %parallel_loop3A_1144 = arith.constant 16 : index
          %parallel_loop3A_1145 = tpu.vector_load %arg12[%parallel_loop3A_1143, %parallel_loop3A_1144] {strides = array<i32>} : memref<845x128xf32, #tpu.memory_space<vmem>>, vector<16xf32>,
          tpu.vector_store %arg12[%parallel_loop3A_1143, %parallel_loop3A_1144], %parallel_loop3A_1141 {strides = array<i32>} : memref<845x128xf32, #tpu.memory_space<vmem>>, vector<16xf32>,
        } {sc.loop_unroll_factor = 8 : i64, sc.parallel_access}
        %mul3A_955 = arith.constant 25000 : i32
        %mul3A_956 = arith.muli %add3A_917, %mul3A_955 : i32
        %get3A_957 = arith.index_cast %add3A_917 : i32 to index
        %get3A_958 = arith.constant 64 : index
        %get3A_959 = tpu.vector_load %arg6[%get3A_957, %get3A_958] {strides = array<i32>} : memref<26x128xi32, #tpu.memory_space<vmem>>, vector<16xi32>,
        %shift_right_logical3A_960 = arith.constant 2 : i32
        %shift_right_logical3A_961 = vector.broadcast %shift_right_logical3A_960 : i32 to vector<16xi32>
        %shift_right_logical3A_962 = arith.shrui %get3A_959, %shift_right_logical3A_961 : vector<16xi32>
        %add3A_963 = vector.broadcast %mul3A_956 : i32 to vector<16xi32>
        %add3A_964 = arith.addi %shift_right_logical3A_962, %add3A_963 : vector<16xi32>
        %swap3A_965 = arith.constant 0 : index
        %swap3A_966 = tpu.vector_load %arg8[%swap3A_965] {strides = array<i32>} : memref<32xi32, #tpu.memory_space<vmem>>, vector<16xi32>,
        tpu.vector_store %arg8[%swap3A_965], %add3A_964 {strides = array<i32>} : memref<32xi32, #tpu.memory_space<vmem>>, vector<16xi32>,
        %get3A_967 = arith.index_cast %add3A_917 : i32 to index
        %get3A_968 = arith.constant 80 : index
        %get3A_969 = tpu.vector_load %arg6[%get3A_967, %get3A_968] {strides = array<i32>} : memref<26x128xi32, #tpu.memory_space<vmem>>, vector<16xi32>,
        %shift_right_logical3A_970 = arith.constant 2 : i32
        %shift_right_logical3A_971 = vector.broadcast %shift_right_logical3A_970 : i32 to vector<16xi32>
        %shift_right_logical3A_972 = arith.shrui %get3A_969, %shift_right_logical3A_971 : vector<16xi32>
        %add3A_973 = vector.broadcast %mul3A_956 : i32 to vector<16xi32>
        %add3A_974 = arith.addi %shift_right_logical3A_972, %add3A_973 : vector<16xi32>
        %swap3A_975 = arith.constant 16 : index
        %swap3A_976 = tpu.vector_load %arg8[%swap3A_975] {strides = array<i32>} : memref<32xi32, #tpu.memory_space<vmem>>, vector<16xi32>,
        tpu.vector_store %arg8[%swap3A_975], %add3A_974 {strides = array<i32>} : memref<32xi32, #tpu.memory_space<vmem>>, vector<16xi32>,
        %dma_start3A_977 = arith.constant 0 : i32
        %dma_start3A_978 = arith.constant 0 : i32
        %dma_start3A_979 = tpu.memref_slice %arg4[%dma_start3A_977, %dma_start3A_978] : memref<650000x128xf32, #tpu.memory_space<hbm>> -> memref<650000x128xf32, #tpu.memory_space<hbm>>
        tpu.enqueue_indirect_dma source(%dma_start3A_979 : memref<650000x128xf32, #tpu.memory_space<hbm>>) target(%arg10 : memref<32x128xf32, #tpu.memory_space<vmem>>) offsets(%arg8 : memref<32xi32, #tpu.memory_space<vmem>>) semaphore(%arg13 : memref<!tpu.dma_semaphore, #tpu.memory_space<semaphore_mem>>)
        %dma_wait3A_980 = arith.constant 0 : i32
        %dma_wait3A_981 = arith.constant 0 : i32
        %dma_wait3A_982 = tpu.memref_slice %arg4[%dma_wait3A_980, %dma_wait3A_981] : memref<650000x128xf32, #tpu.memory_space<hbm>> -> memref<32x128xf32, #tpu.memory_space<hbm>>
        %dma_wait3A_983 = arith.constant 0 : i32
        %dma_wait3A_984 = arith.constant 0 : i32
        %dma_wait3A_985 = tpu.memref_slice %arg4[%dma_wait3A_983, %dma_wait3A_984] : memref<650000x128xf32, #tpu.memory_space<hbm>> -> memref<32x128xf32, #tpu.memory_space<hbm>>
        tpu.wait_dma2 semaphore(%arg14 : memref<!tpu.dma_semaphore, #tpu.memory_space<semaphore_mem>>) src(%dma_wait3A_985 : memref<32x128xf32, #tpu.memory_space<hbm>>) dst(%arg11 : memref<32x128xf32, #tpu.memory_space<vmem>>)
        %mul3A_986 = arith.constant 32 : i32
        %mul3A_987 = arith.muli %add3A_917, %mul3A_986 : i32
        %add3A_988 = arith.constant 13 : i32
        %add3A_989 = arith.addi %add3A_988, %mul3A_987 : i32
        %add3A_990 = arith.constant 0 : i32
        %add3A_991 = vector.broadcast %add3A_990 : i32 to vector<16xi32>
        %add3A_992 = arith.addi %iota3A, %add3A_991 : vector<16xi32>
        %get3A_993 = arith.index_cast %add3A_917 : i32 to index
        %get3A_994 = arith.constant 32 : index
        %get3A_995 = tpu.vector_load %arg6[%get3A_993, %get3A_994] {strides = array<i32>} : memref<26x128xi32, #tpu.memory_space<vmem>>, vector<16xi32>,
        %and3A_996 = arith.constant 3 : i32
        %and3A_997 = vector.broadcast %and3A_996 : i32 to vector<16xi32>
        %and3A_998 = arith.andi %get3A_995, %and3A_997 : vector<16xi32>
        %shift_left3A_999 = arith.constant 5 : i32
        %shift_left3A_1000 = vector.broadcast %shift_left3A_999 : i32 to vector<16xi32>
        %shift_left3A_1001 = arith.shli %and3A_998, %shift_left3A_1000 : vector<16xi32>
        %parallel_loop3A_1002 = arith.constant 0 : i32
        %parallel_loop3A_1003 = arith.constant 32 : i32
        %parallel_loop3A_1004 = arith.constant 1 : i32
        scf.for %parallel_loop3A_1138 = %parallel_loop3A_1002 to %parallel_loop3A_1003 step %parallel_loop3A_1004  : i32 {
          %parallel_loop3A_1139 = vector.broadcast %parallel_loop3A_1138 : i32 to vector<16xi32>
          %parallel_loop3A_1140 = arith.addi %shift_left3A_1001, %parallel_loop3A_1139 : vector<16xi32>
          %parallel_loop3A_1141 = tpu.vector_load_idx %arg11[%add3A_992, %parallel_loop3A_1140] : memref<32x128xf32, #tpu.memory_space<vmem>>[vector<16xi32>, vector<16xi32>], vector<16xf32>,
          %parallel_loop3A_1142 = arith.addi %add3A_989, %parallel_loop3A_1138 : i32
          %parallel_loop3A_1143 = arith.index_cast %parallel_loop3A_1142 : i32 to index
          %parallel_loop3A_1144 = arith.constant 32 : index
          %parallel_loop3A_1145 = tpu.vector_load %arg12[%parallel_loop3A_1143, %parallel_loop3A_1144] {strides = array<i32>} : memref<845x128xf32, #tpu.memory_space<vmem>>, vector<16xf32>,
          tpu.vector_store %arg12[%parallel_loop3A_1143, %parallel_loop3A_1144], %parallel_loop3A_1141 {strides = array<i32>} : memref<845x128xf32, #tpu.memory_space<vmem>>, vector<16xf32>,
        } {sc.loop_unroll_factor = 8 : i64, sc.parallel_access}
        %add3A_1005 = arith.constant 16 : i32
        %add3A_1006 = vector.broadcast %add3A_1005 : i32 to vector<16xi32>
        %add3A_1007 = arith.addi %iota3A, %add3A_1006 : vector<16xi32>
        %get3A_1008 = arith.index_cast %add3A_917 : i32 to index
        %get3A_1009 = arith.constant 48 : index
        %get3A_1010 = tpu.vector_load %arg6[%get3A_1008, %get3A_1009] {strides = array<i32>} : memref<26x128xi32, #tpu.memory_space<vmem>>, vector<16xi32>,
        %and3A_1011 = arith.constant 3 : i32
        %and3A_1012 = vector.broadcast %and3A_1011 : i32 to vector<16xi32>
        %and3A_1013 = arith.andi %get3A_1010, %and3A_1012 : vector<16xi32>
        %shift_left3A_1014 = arith.constant 5 : i32
        %shift_left3A_1015 = vector.broadcast %shift_left3A_1014 : i32 to vector<16xi32>
        %shift_left3A_1016 = arith.shli %and3A_1013, %shift_left3A_1015 : vector<16xi32>
        %parallel_loop3A_1017 = arith.constant 0 : i32
        %parallel_loop3A_1018 = arith.constant 32 : i32
        %parallel_loop3A_1019 = arith.constant 1 : i32
        scf.for %parallel_loop3A_1138 = %parallel_loop3A_1017 to %parallel_loop3A_1018 step %parallel_loop3A_1019  : i32 {
          %parallel_loop3A_1139 = vector.broadcast %parallel_loop3A_1138 : i32 to vector<16xi32>
          %parallel_loop3A_1140 = arith.addi %shift_left3A_1016, %parallel_loop3A_1139 : vector<16xi32>
          %parallel_loop3A_1141 = tpu.vector_load_idx %arg11[%add3A_1007, %parallel_loop3A_1140] : memref<32x128xf32, #tpu.memory_space<vmem>>[vector<16xi32>, vector<16xi32>], vector<16xf32>,
          %parallel_loop3A_1142 = arith.addi %add3A_989, %parallel_loop3A_1138 : i32
          %parallel_loop3A_1143 = arith.index_cast %parallel_loop3A_1142 : i32 to index
          %parallel_loop3A_1144 = arith.constant 48 : index
          %parallel_loop3A_1145 = tpu.vector_load %arg12[%parallel_loop3A_1143, %parallel_loop3A_1144] {strides = array<i32>} : memref<845x128xf32, #tpu.memory_space<vmem>>, vector<16xf32>,
          tpu.vector_store %arg12[%parallel_loop3A_1143, %parallel_loop3A_1144], %parallel_loop3A_1141 {strides = array<i32>} : memref<845x128xf32, #tpu.memory_space<vmem>>, vector<16xf32>,
        } {sc.loop_unroll_factor = 8 : i64, sc.parallel_access}
        %mul3A_1020 = arith.constant 25000 : i32
        %mul3A_1021 = arith.muli %add3A_917, %mul3A_1020 : i32
        %get3A_1022 = arith.index_cast %add3A_917 : i32 to index
        %get3A_1023 = arith.constant 96 : index
        %get3A_1024 = tpu.vector_load %arg6[%get3A_1022, %get3A_1023] {strides = array<i32>} : memref<26x128xi32, #tpu.memory_space<vmem>>, vector<16xi32>,
        %shift_right_logical3A_1025 = arith.constant 2 : i32
        %shift_right_logical3A_1026 = vector.broadcast %shift_right_logical3A_1025 : i32 to vector<16xi32>
        %shift_right_logical3A_1027 = arith.shrui %get3A_1024, %shift_right_logical3A_1026 : vector<16xi32>
        %add3A_1028 = vector.broadcast %mul3A_1021 : i32 to vector<16xi32>
        %add3A_1029 = arith.addi %shift_right_logical3A_1027, %add3A_1028 : vector<16xi32>
        %swap3A_1030 = arith.constant 0 : index
        %swap3A_1031 = tpu.vector_load %arg9[%swap3A_1030] {strides = array<i32>} : memref<32xi32, #tpu.memory_space<vmem>>, vector<16xi32>,
        tpu.vector_store %arg9[%swap3A_1030], %add3A_1029 {strides = array<i32>} : memref<32xi32, #tpu.memory_space<vmem>>, vector<16xi32>,
        %get3A_1032 = arith.index_cast %add3A_917 : i32 to index
        %get3A_1033 = arith.constant 112 : index
        %get3A_1034 = tpu.vector_load %arg6[%get3A_1032, %get3A_1033] {strides = array<i32>} : memref<26x128xi32, #tpu.memory_space<vmem>>, vector<16xi32>,
        %shift_right_logical3A_1035 = arith.constant 2 : i32
        %shift_right_logical3A_1036 = vector.broadcast %shift_right_logical3A_1035 : i32 to vector<16xi32>
        %shift_right_logical3A_1037 = arith.shrui %get3A_1034, %shift_right_logical3A_1036 : vector<16xi32>
        %add3A_1038 = vector.broadcast %mul3A_1021 : i32 to vector<16xi32>
        %add3A_1039 = arith.addi %shift_right_logical3A_1037, %add3A_1038 : vector<16xi32>
        %swap3A_1040 = arith.constant 16 : index
        %swap3A_1041 = tpu.vector_load %arg9[%swap3A_1040] {strides = array<i32>} : memref<32xi32, #tpu.memory_space<vmem>>, vector<16xi32>,
        tpu.vector_store %arg9[%swap3A_1040], %add3A_1039 {strides = array<i32>} : memref<32xi32, #tpu.memory_space<vmem>>, vector<16xi32>,
        %dma_start3A_1042 = arith.constant 0 : i32
        %dma_start3A_1043 = arith.constant 0 : i32
        %dma_start3A_1044 = tpu.memref_slice %arg4[%dma_start3A_1042, %dma_start3A_1043] : memref<650000x128xf32, #tpu.memory_space<hbm>> -> memref<650000x128xf32, #tpu.memory_space<hbm>>
        tpu.enqueue_indirect_dma source(%dma_start3A_1044 : memref<650000x128xf32, #tpu.memory_space<hbm>>) target(%arg11 : memref<32x128xf32, #tpu.memory_space<vmem>>) offsets(%arg9 : memref<32xi32, #tpu.memory_space<vmem>>) semaphore(%arg14 : memref<!tpu.dma_semaphore, #tpu.memory_space<semaphore_mem>>)
        %dma_wait3A_1045 = arith.constant 0 : i32
        %dma_wait3A_1046 = arith.constant 0 : i32
        %dma_wait3A_1047 = tpu.memref_slice %arg4[%dma_wait3A_1045, %dma_wait3A_1046] : memref<650000x128xf32, #tpu.memory_space<hbm>> -> memref<32x128xf32, #tpu.memory_space<hbm>>
        %dma_wait3A_1048 = arith.constant 0 : i32
        %dma_wait3A_1049 = arith.constant 0 : i32
        %dma_wait3A_1050 = tpu.memref_slice %arg4[%dma_wait3A_1048, %dma_wait3A_1049] : memref<650000x128xf32, #tpu.memory_space<hbm>> -> memref<32x128xf32, #tpu.memory_space<hbm>>
        tpu.wait_dma2 semaphore(%arg13 : memref<!tpu.dma_semaphore, #tpu.memory_space<semaphore_mem>>) src(%dma_wait3A_1050 : memref<32x128xf32, #tpu.memory_space<hbm>>) dst(%arg10 : memref<32x128xf32, #tpu.memory_space<vmem>>)
        %mul3A_1051 = arith.constant 32 : i32
        %mul3A_1052 = arith.muli %add3A_917, %mul3A_1051 : i32
        %add3A_1053 = arith.constant 13 : i32
        %add3A_1054 = arith.addi %add3A_1053, %mul3A_1052 : i32
        %add3A_1055 = arith.constant 0 : i32
        %add3A_1056 = vector.broadcast %add3A_1055 : i32 to vector<16xi32>
        %add3A_1057 = arith.addi %iota3A, %add3A_1056 : vector<16xi32>
        %get3A_1058 = arith.index_cast %add3A_917 : i32 to index
        %get3A_1059 = arith.constant 64 : index
        %get3A_1060 = tpu.vector_load %arg6[%get3A_1058, %get3A_1059] {strides = array<i32>} : memref<26x128xi32, #tpu.memory_space<vmem>>, vector<16xi32>,
        %and3A_1061 = arith.constant 3 : i32
        %and3A_1062 = vector.broadcast %and3A_1061 : i32 to vector<16xi32>
        %and3A_1063 = arith.andi %get3A_1060, %and3A_1062 : vector<16xi32>
        %shift_left3A_1064 = arith.constant 5 : i32
        %shift_left3A_1065 = vector.broadcast %shift_left3A_1064 : i32 to vector<16xi32>
        %shift_left3A_1066 = arith.shli %and3A_1063, %shift_left3A_1065 : vector<16xi32>
        %parallel_loop3A_1067 = arith.constant 0 : i32
        %parallel_loop3A_1068 = arith.constant 32 : i32
        %parallel_loop3A_1069 = arith.constant 1 : i32
        scf.for %parallel_loop3A_1138 = %parallel_loop3A_1067 to %parallel_loop3A_1068 step %parallel_loop3A_1069  : i32 {
          %parallel_loop3A_1139 = vector.broadcast %parallel_loop3A_1138 : i32 to vector<16xi32>
          %parallel_loop3A_1140 = arith.addi %shift_left3A_1066, %parallel_loop3A_1139 : vector<16xi32>
          %parallel_loop3A_1141 = tpu.vector_load_idx %arg10[%add3A_1057, %parallel_loop3A_1140] : memref<32x128xf32, #tpu.memory_space<vmem>>[vector<16xi32>, vector<16xi32>], vector<16xf32>,
          %parallel_loop3A_1142 = arith.addi %add3A_1054, %parallel_loop3A_1138 : i32
          %parallel_loop3A_1143 = arith.index_cast %parallel_loop3A_1142 : i32 to index
          %parallel_loop3A_1144 = arith.constant 64 : index
          %parallel_loop3A_1145 = tpu.vector_load %arg12[%parallel_loop3A_1143, %parallel_loop3A_1144] {strides = array<i32>} : memref<845x128xf32, #tpu.memory_space<vmem>>, vector<16xf32>,
          tpu.vector_store %arg12[%parallel_loop3A_1143, %parallel_loop3A_1144], %parallel_loop3A_1141 {strides = array<i32>} : memref<845x128xf32, #tpu.memory_space<vmem>>, vector<16xf32>,
        } {sc.loop_unroll_factor = 8 : i64, sc.parallel_access}
        %add3A_1070 = arith.constant 16 : i32
        %add3A_1071 = vector.broadcast %add3A_1070 : i32 to vector<16xi32>
        %add3A_1072 = arith.addi %iota3A, %add3A_1071 : vector<16xi32>
        %get3A_1073 = arith.index_cast %add3A_917 : i32 to index
        %get3A_1074 = arith.constant 80 : index
        %get3A_1075 = tpu.vector_load %arg6[%get3A_1073, %get3A_1074] {strides = array<i32>} : memref<26x128xi32, #tpu.memory_space<vmem>>, vector<16xi32>,
        %and3A_1076 = arith.constant 3 : i32
        %and3A_1077 = vector.broadcast %and3A_1076 : i32 to vector<16xi32>
        %and3A_1078 = arith.andi %get3A_1075, %and3A_1077 : vector<16xi32>
        %shift_left3A_1079 = arith.constant 5 : i32
        %shift_left3A_1080 = vector.broadcast %shift_left3A_1079 : i32 to vector<16xi32>
        %shift_left3A_1081 = arith.shli %and3A_1078, %shift_left3A_1080 : vector<16xi32>
        %parallel_loop3A_1082 = arith.constant 0 : i32
        %parallel_loop3A_1083 = arith.constant 32 : i32
        %parallel_loop3A_1084 = arith.constant 1 : i32
        scf.for %parallel_loop3A_1138 = %parallel_loop3A_1082 to %parallel_loop3A_1083 step %parallel_loop3A_1084  : i32 {
          %parallel_loop3A_1139 = vector.broadcast %parallel_loop3A_1138 : i32 to vector<16xi32>
          %parallel_loop3A_1140 = arith.addi %shift_left3A_1081, %parallel_loop3A_1139 : vector<16xi32>
          %parallel_loop3A_1141 = tpu.vector_load_idx %arg10[%add3A_1072, %parallel_loop3A_1140] : memref<32x128xf32, #tpu.memory_space<vmem>>[vector<16xi32>, vector<16xi32>], vector<16xf32>,
          %parallel_loop3A_1142 = arith.addi %add3A_1054, %parallel_loop3A_1138 : i32
          %parallel_loop3A_1143 = arith.index_cast %parallel_loop3A_1142 : i32 to index
          %parallel_loop3A_1144 = arith.constant 80 : index
          %parallel_loop3A_1145 = tpu.vector_load %arg12[%parallel_loop3A_1143, %parallel_loop3A_1144] {strides = array<i32>} : memref<845x128xf32, #tpu.memory_space<vmem>>, vector<16xf32>,
          tpu.vector_store %arg12[%parallel_loop3A_1143, %parallel_loop3A_1144], %parallel_loop3A_1141 {strides = array<i32>} : memref<845x128xf32, #tpu.memory_space<vmem>>, vector<16xf32>,
        } {sc.loop_unroll_factor = 8 : i64, sc.parallel_access}
        %add3A_1085 = arith.constant 1 : i32
        %add3A_1086 = arith.addi %add3A_917, %add3A_1085 : i32
        %lt3A = arith.constant 26 : i32
        %lt3A_1087 = arith.cmpi slt, %add3A_1086, %lt3A : i32
        %convert_element_type3A_1088 = arith.extui %lt3A_1087 : i1 to i32
        %cond3A_1089 = arith.constant 0 : i32
        %cond3A_1090 = arith.cmpi ne, %convert_element_type3A_1088, %cond3A_1089 : i32
        scf.if %cond3A_1090 {
          %add3A_1138 = arith.constant 1 : i32
          %add3A_1139 = arith.addi %add3A_917, %add3A_1138 : i32
          %mul3A_1140 = arith.constant 25000 : i32
          %mul3A_1141 = arith.muli %add3A_1139, %mul3A_1140 : i32
          %get3A_1142 = arith.index_cast %add3A_1139 : i32 to index
          %get3A_1143 = arith.constant 0 : index
          %get3A_1144 = tpu.vector_load %arg6[%get3A_1142, %get3A_1143] {strides = array<i32>} : memref<26x128xi32, #tpu.memory_space<vmem>>, vector<16xi32>,
          %shift_right_logical3A_1145 = arith.constant 2 : i32
          %shift_right_logical3A_1146 = vector.broadcast %shift_right_logical3A_1145 : i32 to vector<16xi32>
          %shift_right_logical3A_1147 = arith.shrui %get3A_1144, %shift_right_logical3A_1146 : vector<16xi32>
          %add3A_1148 = vector.broadcast %mul3A_1141 : i32 to vector<16xi32>
          %add3A_1149 = arith.addi %shift_right_logical3A_1147, %add3A_1148 : vector<16xi32>
          %swap3A_1150 = arith.constant 0 : index
          %swap3A_1151 = tpu.vector_load %arg8[%swap3A_1150] {strides = array<i32>} : memref<32xi32, #tpu.memory_space<vmem>>, vector<16xi32>,
          tpu.vector_store %arg8[%swap3A_1150], %add3A_1149 {strides = array<i32>} : memref<32xi32, #tpu.memory_space<vmem>>, vector<16xi32>,
          %get3A_1152 = arith.index_cast %add3A_1139 : i32 to index
          %get3A_1153 = arith.constant 16 : index
          %get3A_1154 = tpu.vector_load %arg6[%get3A_1152, %get3A_1153] {strides = array<i32>} : memref<26x128xi32, #tpu.memory_space<vmem>>, vector<16xi32>,
          %shift_right_logical3A_1155 = arith.constant 2 : i32
          %shift_right_logical3A_1156 = vector.broadcast %shift_right_logical3A_1155 : i32 to vector<16xi32>
          %shift_right_logical3A_1157 = arith.shrui %get3A_1154, %shift_right_logical3A_1156 : vector<16xi32>
          %add3A_1158 = vector.broadcast %mul3A_1141 : i32 to vector<16xi32>
          %add3A_1159 = arith.addi %shift_right_logical3A_1157, %add3A_1158 : vector<16xi32>
          %swap3A_1160 = arith.constant 16 : index
          %swap3A_1161 = tpu.vector_load %arg8[%swap3A_1160] {strides = array<i32>} : memref<32xi32, #tpu.memory_space<vmem>>, vector<16xi32>,
          tpu.vector_store %arg8[%swap3A_1160], %add3A_1159 {strides = array<i32>} : memref<32xi32, #tpu.memory_space<vmem>>, vector<16xi32>,
          %dma_start3A_1162 = arith.constant 0 : i32
          %dma_start3A_1163 = arith.constant 0 : i32
          %dma_start3A_1164 = tpu.memref_slice %arg4[%dma_start3A_1162, %dma_start3A_1163] : memref<650000x128xf32, #tpu.memory_space<hbm>> -> memref<650000x128xf32, #tpu.memory_space<hbm>>
          tpu.enqueue_indirect_dma source(%dma_start3A_1164 : memref<650000x128xf32, #tpu.memory_space<hbm>>) target(%arg10 : memref<32x128xf32, #tpu.memory_space<vmem>>) offsets(%arg8 : memref<32xi32, #tpu.memory_space<vmem>>) semaphore(%arg13 : memref<!tpu.dma_semaphore, #tpu.memory_space<semaphore_mem>>)
        } else {
        }
        %dma_wait3A_1091 = arith.constant 0 : i32
        %dma_wait3A_1092 = arith.constant 0 : i32
        %dma_wait3A_1093 = tpu.memref_slice %arg4[%dma_wait3A_1091, %dma_wait3A_1092] : memref<650000x128xf32, #tpu.memory_space<hbm>> -> memref<32x128xf32, #tpu.memory_space<hbm>>
        %dma_wait3A_1094 = arith.constant 0 : i32
        %dma_wait3A_1095 = arith.constant 0 : i32
        %dma_wait3A_1096 = tpu.memref_slice %arg4[%dma_wait3A_1094, %dma_wait3A_1095] : memref<650000x128xf32, #tpu.memory_space<hbm>> -> memref<32x128xf32, #tpu.memory_space<hbm>>
        tpu.wait_dma2 semaphore(%arg14 : memref<!tpu.dma_semaphore, #tpu.memory_space<semaphore_mem>>) src(%dma_wait3A_1096 : memref<32x128xf32, #tpu.memory_space<hbm>>) dst(%arg11 : memref<32x128xf32, #tpu.memory_space<vmem>>)
        %mul3A_1097 = arith.constant 32 : i32
        %mul3A_1098 = arith.muli %add3A_917, %mul3A_1097 : i32
        %add3A_1099 = arith.constant 13 : i32
        %add3A_1100 = arith.addi %add3A_1099, %mul3A_1098 : i32
        %add3A_1101 = arith.constant 0 : i32
        %add3A_1102 = vector.broadcast %add3A_1101 : i32 to vector<16xi32>
        %add3A_1103 = arith.addi %iota3A, %add3A_1102 : vector<16xi32>
        %get3A_1104 = arith.index_cast %add3A_917 : i32 to index
        %get3A_1105 = arith.constant 96 : index
        %get3A_1106 = tpu.vector_load %arg6[%get3A_1104, %get3A_1105] {strides = array<i32>} : memref<26x128xi32, #tpu.memory_space<vmem>>, vector<16xi32>,
        %and3A_1107 = arith.constant 3 : i32
        %and3A_1108 = vector.broadcast %and3A_1107 : i32 to vector<16xi32>
        %and3A_1109 = arith.andi %get3A_1106, %and3A_1108 : vector<16xi32>
        %shift_left3A_1110 = arith.constant 5 : i32
        %shift_left3A_1111 = vector.broadcast %shift_left3A_1110 : i32 to vector<16xi32>
        %shift_left3A_1112 = arith.shli %and3A_1109, %shift_left3A_1111 : vector<16xi32>
        %parallel_loop3A_1113 = arith.constant 0 : i32
        %parallel_loop3A_1114 = arith.constant 32 : i32
        %parallel_loop3A_1115 = arith.constant 1 : i32
        scf.for %parallel_loop3A_1138 = %parallel_loop3A_1113 to %parallel_loop3A_1114 step %parallel_loop3A_1115  : i32 {
          %parallel_loop3A_1139 = vector.broadcast %parallel_loop3A_1138 : i32 to vector<16xi32>
          %parallel_loop3A_1140 = arith.addi %shift_left3A_1112, %parallel_loop3A_1139 : vector<16xi32>
          %parallel_loop3A_1141 = tpu.vector_load_idx %arg11[%add3A_1103, %parallel_loop3A_1140] : memref<32x128xf32, #tpu.memory_space<vmem>>[vector<16xi32>, vector<16xi32>], vector<16xf32>,
          %parallel_loop3A_1142 = arith.addi %add3A_1100, %parallel_loop3A_1138 : i32
          %parallel_loop3A_1143 = arith.index_cast %parallel_loop3A_1142 : i32 to index
          %parallel_loop3A_1144 = arith.constant 96 : index
          %parallel_loop3A_1145 = tpu.vector_load %arg12[%parallel_loop3A_1143, %parallel_loop3A_1144] {strides = array<i32>} : memref<845x128xf32, #tpu.memory_space<vmem>>, vector<16xf32>,
          tpu.vector_store %arg12[%parallel_loop3A_1143, %parallel_loop3A_1144], %parallel_loop3A_1141 {strides = array<i32>} : memref<845x128xf32, #tpu.memory_space<vmem>>, vector<16xf32>,
        } {sc.loop_unroll_factor = 8 : i64, sc.parallel_access}
        %add3A_1116 = arith.constant 16 : i32
        %add3A_1117 = vector.broadcast %add3A_1116 : i32 to vector<16xi32>
        %add3A_1118 = arith.addi %iota3A, %add3A_1117 : vector<16xi32>
        %get3A_1119 = arith.index_cast %add3A_917 : i32 to index
        %get3A_1120 = arith.constant 112 : index
        %get3A_1121 = tpu.vector_load %arg6[%get3A_1119, %get3A_1120] {strides = array<i32>} : memref<26x128xi32, #tpu.memory_space<vmem>>, vector<16xi32>,
        %and3A_1122 = arith.constant 3 : i32
        %and3A_1123 = vector.broadcast %and3A_1122 : i32 to vector<16xi32>
        %and3A_1124 = arith.andi %get3A_1121, %and3A_1123 : vector<16xi32>
        %shift_left3A_1125 = arith.constant 5 : i32
        %shift_left3A_1126 = vector.broadcast %shift_left3A_1125 : i32 to vector<16xi32>
        %shift_left3A_1127 = arith.shli %and3A_1124, %shift_left3A_1126 : vector<16xi32>
        %parallel_loop3A_1128 = arith.constant 0 : i32
        %parallel_loop3A_1129 = arith.constant 32 : i32
        %parallel_loop3A_1130 = arith.constant 1 : i32
        scf.for %parallel_loop3A_1138 = %parallel_loop3A_1128 to %parallel_loop3A_1129 step %parallel_loop3A_1130  : i32 {
          %parallel_loop3A_1139 = vector.broadcast %parallel_loop3A_1138 : i32 to vector<16xi32>
          %parallel_loop3A_1140 = arith.addi %shift_left3A_1127, %parallel_loop3A_1139 : vector<16xi32>
          %parallel_loop3A_1141 = tpu.vector_load_idx %arg11[%add3A_1118, %parallel_loop3A_1140] : memref<32x128xf32, #tpu.memory_space<vmem>>[vector<16xi32>, vector<16xi32>], vector<16xf32>,
          %parallel_loop3A_1142 = arith.addi %add3A_1100, %parallel_loop3A_1138 : i32
          %parallel_loop3A_1143 = arith.index_cast %parallel_loop3A_1142 : i32 to index
          %parallel_loop3A_1144 = arith.constant 112 : index
          %parallel_loop3A_1145 = tpu.vector_load %arg12[%parallel_loop3A_1143, %parallel_loop3A_1144] {strides = array<i32>} : memref<845x128xf32, #tpu.memory_space<vmem>>, vector<16xf32>,
          tpu.vector_store %arg12[%parallel_loop3A_1143, %parallel_loop3A_1144], %parallel_loop3A_1141 {strides = array<i32>} : memref<845x128xf32, #tpu.memory_space<vmem>>, vector<16xf32>,
        } {sc.loop_unroll_factor = 8 : i64, sc.parallel_access}
        %add3A_1131 = arith.constant 1 : i32
        %add3A_1132 = arith.addi %add3A_917, %add3A_1131 : i32
        %lt3A_1133 = arith.constant 26 : i32
        %lt3A_1134 = arith.cmpi slt, %add3A_1132, %lt3A_1133 : i32
        %convert_element_type3A_1135 = arith.extui %lt3A_1134 : i1 to i32
        %cond3A_1136 = arith.constant 0 : i32
        %cond3A_1137 = arith.cmpi ne, %convert_element_type3A_1135, %cond3A_1136 : i32
        scf.if %cond3A_1137 {
          %add3A_1138 = arith.constant 1 : i32
          %add3A_1139 = arith.addi %add3A_917, %add3A_1138 : i32
          %mul3A_1140 = arith.constant 25000 : i32
          %mul3A_1141 = arith.muli %add3A_1139, %mul3A_1140 : i32
          %get3A_1142 = arith.index_cast %add3A_1139 : i32 to index
          %get3A_1143 = arith.constant 32 : index
          %get3A_1144 = tpu.vector_load %arg6[%get3A_1142, %get3A_1143] {strides = array<i32>} : memref<26x128xi32, #tpu.memory_space<vmem>>, vector<16xi32>,
          %shift_right_logical3A_1145 = arith.constant 2 : i32
          %shift_right_logical3A_1146 = vector.broadcast %shift_right_logical3A_1145 : i32 to vector<16xi32>
          %shift_right_logical3A_1147 = arith.shrui %get3A_1144, %shift_right_logical3A_1146 : vector<16xi32>
          %add3A_1148 = vector.broadcast %mul3A_1141 : i32 to vector<16xi32>
          %add3A_1149 = arith.addi %shift_right_logical3A_1147, %add3A_1148 : vector<16xi32>
          %swap3A_1150 = arith.constant 0 : index
          %swap3A_1151 = tpu.vector_load %arg9[%swap3A_1150] {strides = array<i32>} : memref<32xi32, #tpu.memory_space<vmem>>, vector<16xi32>,
          tpu.vector_store %arg9[%swap3A_1150], %add3A_1149 {strides = array<i32>} : memref<32xi32, #tpu.memory_space<vmem>>, vector<16xi32>,
          %get3A_1152 = arith.index_cast %add3A_1139 : i32 to index
          %get3A_1153 = arith.constant 48 : index
          %get3A_1154 = tpu.vector_load %arg6[%get3A_1152, %get3A_1153] {strides = array<i32>} : memref<26x128xi32, #tpu.memory_space<vmem>>, vector<16xi32>,
          %shift_right_logical3A_1155 = arith.constant 2 : i32
          %shift_right_logical3A_1156 = vector.broadcast %shift_right_logical3A_1155 : i32 to vector<16xi32>
          %shift_right_logical3A_1157 = arith.shrui %get3A_1154, %shift_right_logical3A_1156 : vector<16xi32>
          %add3A_1158 = vector.broadcast %mul3A_1141 : i32 to vector<16xi32>
          %add3A_1159 = arith.addi %shift_right_logical3A_1157, %add3A_1158 : vector<16xi32>
          %swap3A_1160 = arith.constant 16 : index
          %swap3A_1161 = tpu.vector_load %arg9[%swap3A_1160] {strides = array<i32>} : memref<32xi32, #tpu.memory_space<vmem>>, vector<16xi32>,
          tpu.vector_store %arg9[%swap3A_1160], %add3A_1159 {strides = array<i32>} : memref<32xi32, #tpu.memory_space<vmem>>, vector<16xi32>,
          %dma_start3A_1162 = arith.constant 0 : i32
          %dma_start3A_1163 = arith.constant 0 : i32
          %dma_start3A_1164 = tpu.memref_slice %arg4[%dma_start3A_1162, %dma_start3A_1163] : memref<650000x128xf32, #tpu.memory_space<hbm>> -> memref<650000x128xf32, #tpu.memory_space<hbm>>
          tpu.enqueue_indirect_dma source(%dma_start3A_1164 : memref<650000x128xf32, #tpu.memory_space<hbm>>) target(%arg11 : memref<32x128xf32, #tpu.memory_space<vmem>>) offsets(%arg9 : memref<32xi32, #tpu.memory_space<vmem>>) semaphore(%arg14 : memref<!tpu.dma_semaphore, #tpu.memory_space<semaphore_mem>>)
        } else {
        }
      }
      %scan3A_908 = arith.constant 26 : i32
      %dma_start3A_909 = arith.constant 0 : i32
      %dma_start3A_910 = tpu.memref_slice %arg5[%dma_start3A_909, %multiple_of3A] : memref<845x16384xf32, #tpu.memory_space<hbm>> -> memref<845x128xf32, #tpu.memory_space<hbm>>
      %dma_start3A_911 = arith.constant 0 : i32
      %dma_start3A_912 = tpu.memref_slice %arg5[%dma_start3A_911, %multiple_of3A] : memref<845x16384xf32, #tpu.memory_space<hbm>> -> memref<845x128xf32, #tpu.memory_space<hbm>>
      tpu.enqueue_dma source(%arg12 : memref<845x128xf32, #tpu.memory_space<vmem>>) target(%dma_start3A_912 : memref<845x128xf32, #tpu.memory_space<hbm>>) target_semaphore(%arg15 : memref<!tpu.dma_semaphore, #tpu.memory_space<semaphore_mem>>)
    }
    %scan3A_6 = arith.constant 4 : i32
    %dma_wait3A = arith.constant 0 : i32
    %dma_wait3A_7 = arith.constant 0 : i32
    %dma_wait3A_8 = tpu.memref_slice %arg5[%dma_wait3A, %dma_wait3A_7] : memref<845x16384xf32, #tpu.memory_space<hbm>> -> memref<845x128xf32, #tpu.memory_space<hbm>>
    %dma_wait3A_9 = arith.constant 0 : i32
    %dma_wait3A_10 = arith.constant 0 : i32
    %dma_wait3A_11 = tpu.memref_slice %arg5[%dma_wait3A_9, %dma_wait3A_10] : memref<845x16384xf32, #tpu.memory_space<hbm>> -> memref<845x128xf32, #tpu.memory_space<hbm>>
    tpu.wait_dma2 semaphore(%arg15 : memref<!tpu.dma_semaphore, #tpu.memory_space<semaphore_mem>>) src(%arg12 : memref<845x128xf32, #tpu.memory_space<vmem>>) dst(%dma_wait3A_11 : memref<845x128xf32, #tpu.memory_space<hbm>>)
    return
  }
}

</mosaic_0001>

<sc_bundles>
// kernel: kernel.3.cloned.1.call-start
scs
__scs_entry_jumppad:
0x0: {  	(pc) =	sbr.rel $0x88, $3  }
0x1: {  	(tag) =	ssettag $0x0;
	lr =	simm.s32 $0x1  }
0x2: {  	[smem:$0x3F9E] =	sst lr;
	_ =	strace $0xD0000000  }
0x3: {  	_ = 	snop  }
0x4: {  	_ = 	snop  }
0x5: {  	_ = 	snop  }
0x6: {  	_ = 	snop  }
0x7: {  	_ = 	snop  }
__scs_overlays_trampoline_lowered:
0x8: {  	[smem:$0x3FAD] =	sst s0  }
0x9: {  	[smem:$0x3FAE] =	sst s1  }
0xa: {  	[smem:$0x3FAF] =	sst s2  }
0xb: {  	[smem:$0x3FB0] =	sst s3  }
0xc: {  	[smem:$0x3FB1] =	sst s4  }
0xd: {  	[smem:$0x3FB2] =	sst s5  }
0xe: {  	[smem:$0x3FB3] =	sst s6  }
0xf: {  	[smem:$0x3FB4] =	sst s7  }
0x10: {  	[smem:$0x3FB5] =	sst s8  }
0x11: {  	[smem:$0x3FB6] =	sst s9;
	s0 =	simm.s32 @!p0 $0x0  }
0x12: {  	s1 =	sld [smem:$0x3F9C];
	s0 =	simm.s32 @p0 $0x1  }
0x13: {  	[smem:$0x3FB7] =	sst s0;
	s0 =	simm.s32 @!p1 $0x0  }
0x14: {  	s2 =	sld [smem:$0x3F9B];
	s0 =	simm.s32 @p1 $0x1  }
0x15: {  	[smem:$0x3FB8] =	sst s0;
	s0 =	simm.s32 @!p2 $0x0  }
0x16: {  	s3 =	sld [smem:$0x3FDB];
	s0 =	simm.s32 @p2 $0x1  }
0x17: {  	s4 =	simm.s32 $0x1BF5;
	[smem:$0x3FBA] =	sst s0  }
0x18: {  	s0 =	sld [smem:$0x3F9D];
	_ =	swait.ge [sflag:s4], $0x0  }
0x19: {  	s7 =	sld [smem:$0x3F9E]  }
0x1a: {  	s8 =	sadd.s32 $0xFFFFE003, lr  }
0x1b: {  	s9 =	sadd.s32 $0xFFFFFEF7, lr;
	s5 =	simm.s32 $0xFFFFFFFF;
	p2 =	slt.u32 s8, $0xFFFFF086  }
0x1c: {  	p1 =	slt.u32 s9, $0xF7A;
	s5 =	simm.s32 @!p2 $0x0  }
0x1d: {  	s5 =	simm.s32 @p1 $0x1;
	p0 =	seq.s32 s7, s2  }
0x1e: {  	s7 =	smul.u32 @!p0 $0xF7A, s2;
	p2 =	seq.s32 @!p0 s5, $0x0  }
0x1f: {  	s9 =	smul.u32 $0xF7A, s1;
	s8 =	simm.s32 @!p0 $0x1BF5;
	p2 =	por !p2, p0  }
0x20: {  	[sflag:s8] =	ssyncset.s32 @!p0 $0xFFFFF086;
	s6 =	sadd.s32 @!p0 s3, s7;
	s7 =	simm.s32 @!p0 $0x108  }
0x21: {  	s3 =	sadd.s32 s3, s9;
	s6 =	sadd.s32 @!p0 $0x88, s6;
	s7 =	simm.s32 @p2 $0x1082  }
0x22: {  	[simem:s7], [sflag:s8] =	dma.local @!p0 [hbm:s6], $0xF7A  }
0x23: {  	s9 =	sor.u32 $0xD0000000, s2;
	s6 =	simm.s32 $0x108;
	_ =	swait.ge @!p0 [sflag:s8], $0x0  }
0x24: {  	s3 =	sadd.s32 $0x88, s3;
	s6 =	simm.s32 @!p1 $0x1082;
	[sflag:s4] =	ssyncset.s32 $0xFFFFF086  }
0x25: {  	[simem:s6], [sflag:s4] =	dma.local [hbm:s3], $0xF7A  }
0x26: {  	[smem:$0x3F9E] =	sst s1;
	(tag) =	ssettag s2;
	_ =	strace s9  }
0x27: {  	s1 =	sld [smem:$0x3FAE]  }
0x28: {  	s2 =	sld [smem:$0x3FAF]  }
0x29: {  	s4 =	sld [smem:$0x3FB1]  }
0x2a: {  	p0 =	seq.s32 s5, $0x0;
	s5 =	sld [smem:$0x3FB2]  }
0x2b: {  	s6 =	sld [smem:$0x3FB3]  }
0x2c: {  	s7 =	sld [smem:$0x3FB4]  }
0x2d: {  	s3 =	simm.s32 $0x108;
	s8 =	sld [smem:$0x3FB5]  }
0x2e: {  	s3 =	simm.s32 @!p0 $0x1082;
	s9 =	sld [smem:$0x3FB6]  }
0x2f: {  	lr =	sadd.s32 s0, s3;
	s0 =	sld [smem:$0x3FAD]  }
0x30: {  	s3 =	sld [smem:$0x3FB0]  }
0x31: {  	[smem:$0x3FB9] =	sst s10  }
0x32: {  	s10 =	sld [smem:$0x3FB7];
	_ =	sdelay $0x3  }
0x33: {  	p0 =	seq.s32 s10, $0x1;
	s10 =	sld [smem:$0x3FB9];
	_ =	sdelay $0x3  }
0x34: {  	[smem:$0x3FB9] =	sst s10  }
0x35: {  	s10 =	sld [smem:$0x3FB8];
	_ =	sdelay $0x3  }
0x36: {  	p1 =	seq.s32 s10, $0x1;
	s10 =	sld [smem:$0x3FB9];
	_ =	sdelay $0x3  }
0x37: {  	[smem:$0x3FB9] =	sst s10  }
0x38: {  	s10 =	sld [smem:$0x3FBA]  }
0x39: {  	_ = 	snop;
	(pc) =	sbr.ind lr, $3  }
0x3a: {  	_ = 	snop  }
0x3b: {  	_ = 	snop  }
0x3c: {  	p2 =	seq.s32 s10, $0x1;
	s10 =	sld [smem:$0x3FB9]  }
0x3d: {  	_ =	shalt  }
0x3e: {  	_ =	shalt  }
0x3f: {  	_ =	shalt  }
0x40: {  	_ =	shalt  }
0x41: {  	_ =	shalt  }
0x42: {  	_ =	shalt  }
0x43: {  	_ =	shalt  }
0x44: {  	_ =	shalt  }
0x45: {  	_ =	shalt  }
0x46: {  	_ =	shalt  }
0x47: {  	_ =	shalt  }
0x48: {  	_ =	shalt  }
0x49: {  	_ =	shalt  }
0x4a: {  	_ =	shalt  }
0x4b: {  	_ =	shalt  }
0x4c: {  	_ =	shalt  }
0x4d: {  	_ =	shalt  }
0x4e: {  	_ =	shalt  }
0x4f: {  	_ =	shalt  }
0x50: {  	_ =	shalt  }
0x51: {  	_ =	shalt  }
0x52: {  	_ =	shalt  }
0x53: {  	_ =	shalt  }
0x54: {  	_ =	shalt  }
0x55: {  	_ =	shalt  }
0x56: {  	_ =	shalt  }
0x57: {  	_ =	shalt  }
0x58: {  	_ =	shalt  }
0x59: {  	_ =	shalt  }
0x5a: {  	_ =	shalt  }
0x5b: {  	_ =	shalt  }
0x5c: {  	_ =	shalt  }
0x5d: {  	_ =	shalt  }
0x5e: {  	_ =	shalt  }
0x5f: {  	_ =	shalt  }
0x60: {  	_ =	shalt  }
0x61: {  	_ =	shalt  }
0x62: {  	_ =	shalt  }
0x63: {  	_ =	shalt  }
0x64: {  	_ =	shalt  }
0x65: {  	_ =	shalt  }
0x66: {  	_ =	shalt  }
0x67: {  	_ =	shalt  }
0x68: {  	_ =	shalt  }
0x69: {  	_ =	shalt  }
0x6a: {  	_ =	shalt  }
0x6b: {  	_ =	shalt  }
0x6c: {  	_ =	shalt  }
0x6d: {  	_ =	shalt  }
0x6e: {  	_ =	shalt  }
0x6f: {  	_ =	shalt  }
0x70: {  	_ =	shalt  }
0x71: {  	_ =	shalt  }
0x72: {  	_ =	shalt  }
0x73: {  	_ =	shalt  }
0x74: {  	_ =	shalt  }
0x75: {  	_ =	shalt  }
0x76: {  	_ =	shalt  }
0x77: {  	_ =	shalt  }
0x78: {  	_ =	shalt  }
0x79: {  	_ =	shalt  }
0x7a: {  	_ =	shalt  }
0x7b: {  	_ =	shalt  }
0x7c: {  	_ =	shalt  }
0x7d: {  	_ =	shalt  }
0x7e: {  	_ =	shalt  }
0x7f: {  	_ =	shalt  }
0x80: {  	_ =	shalt  }
0x81: {  	_ =	shalt  }
0x82: {  	_ =	shalt  }
0x83: {  	_ =	shalt  }
0x84: {  	_ =	shalt  }
0x85: {  	_ =	shalt  }
0x86: {  	_ =	shalt  }
0x87: {  	_ =	shalt  }
.Lfunc_end0:
.L_simem_size_0:
called_computation_lowered:
.L_overlay_start_0:
0x88: {  	s2 =	sld [smem:$0x3FD9]  }
0x89: {  	s3 =	sld [smem:$0x3FFE];
	_ =	sdelay $0x1  }
0x8a: {  	s1 =	srdreg.scid  }
0x8b: {  	s0 =	sand.u32 $0x1, s1  }
0x8c: {  	s17 =	sshll.u32 s0, $0xA;
	s2 =	sadd.s32 s3, s2  }
0x8d: {  	s2 =	sadd.s32 s2, s17  }
0x8e: {  	[smem:$0x3FC5] =	sst s2  }
0x8f: {  	_ = 	snop  }
0x90: {  	s2 =	sld [smem:$0x3FC9]  }
0x91: {  	s18 =	sld [smem:$0x3FC8]  }
0x92: {  	s4 =	sld [smem:$0x3FD0];
	(tm) =	ssettm $0x1  }
0x93: {  	s5 =	sld [smem:$0x3FFB];
	_ =	sdelay $0x3  }
0x94: {  	_ =	strace s5  }
0x95: {  	s5 =	sld [smem:$0x3FFC];
	_ =	sdelay $0x3  }
0x96: {  	_ =	strace s5  }
0x97: {  	s5 =	sld [smem:$0x3FFD];
	_ =	sdelay $0x3  }
0x98: {  	_ =	strace s5  }
0x99: {  	_ =	strace $0x8FFFFFFF  }
0x9a: {  	s19 =	sld [smem:$0x3FDB];
	_ =	sdelay $0x1  }
0x9b: {  	s6 =	simm.s32 $_scs_section_size  }
0x9c: {  	s7 =	simm.s32 $_size__tile_overlayer_lowered;
	s8 =	simm.s32 $_tile_overlayer_lowered  }
0x9d: {  	s22 =	simm.s32 $0x1BFF;
	s21 =	sshll.u32 s8, $0x1;
	s5 =	sadd.s32 s6, s19  }
0x9e: {  	s9 =	simm.s32 $0x0;
	s20 =	sshll.u32 s7, $0x1;
	s7 =	sadd.s32 s21, s5  }
0x9f: {  	[timem:s9], [sflag:s22] =	dma.local [hbm:s7], s20  }
0xa0: {  	_ =	swait.ge [sflag:s22], s20  }
0xa1: {  	s6 =	ssub.s32 $0x0, s20;
	[sflag:s22] =	ssyncset.done $0x0  }
0xa2: {  	[sflag:s22] =	ssyncadd.s32 s6;
	_ =	sdelay $0x1  }
0xa3: {  	s23 =	simm.s32 $0x1B8B  }
0xa4: {  	_ =	swait.ge [sflag:s23], $0x1  }
0xa5: {  	[sflag:s23] =	ssyncset.done $0x0  }
0xa6: {  	s25 =	simm.s32 $0x1B8E;
	s24 =	sld [smem:$0x3FFE];
	[sflag:s23] =	ssyncadd.s32 $0xFFFFFFFF  }
0xa7: {  	s26 =	simm.s32 $execute0_lowered;
	[smem:$0x3FD2] =	sst s25  }
0xa8: {  	s7 =	sshll.u32 s26, $0x1;
	_ =	strace $0x80000046;
	[dreg:$0x1] =	wrdreg $0xFFFFFFFF  }
0xa9: {  	s28 =	simm.s32 $_size_execute0_lowered;
	s5 =	sadd.s32 s5, s7;
	[dreg:$0x0] =	wrdreg $0x0  }
0xaa: {  	s7 =	sshll.u32 s28, $0x1;
	[dreg:$0x2] =	wrdreg s5  }
0xab: {  	[dreg:$0x3] =	wrdreg s7  }
0xac: {  	[dreg:$0x4] =	wrdreg $0xC0  }
0xad: {  	_ =	task [dreg:s9], $0x5FFFF  }
0xae: {  	[dreg:$0x1] =	wrdreg $0xFFFFFFFF  }
0xaf: {  	[dreg:$0x0] =	wrdreg $0x60  }
0xb0: {  	[dreg:$0x2] =	wrdreg s2  }
0xb1: {  	[dreg:$0x3] =	wrdreg s18  }
0xb2: {  	[dreg:$0x4] =	wrdreg s24  }
0xb3: {  	[dreg:$0x5] =	wrdreg s4  }
0xb4: {  	[dreg:$0x6] =	wrdreg $0x9  }
0xb5: {  	_ =	task.clear_ibuf [dreg:s9], $0x7FFFF;
	_ =	strace $0x90000046  }
0xb6: {  	s29 =	simm.s32 $0x9;
	_ =	strace $0x80000048  }
0xb7: {  	_ =	swait.ge [sflag:s29], $0x1  }
0xb8: {  	[sflag:s29] =	ssyncadd.s32 $0xFFFFFFFF  }
0xb9: {  	_ =	strace $0x90000048  }
0xba: {  	_ =	sfence  }
0xbb: {  	s30 =	sld [smem:$0x0];
	_ =	sdelay $0x2  }
0xbc: {  	s31 =	sshll.u32 s1, $0xD;
	s1 =	sshrl.u32 s1, $0x2  }
0xbd: {  	s3 =	sand.u32 $0x4000, s31;
	s1 =	sadd.s32 s1, s30  }
0xbe: {  	s0 =	sor.u32 s3, s0;
	s1 =	sshll.u32 s1, $0x11  }
0xbf: {  	s0 =	sor.u32 s1, s0  }
0xc0: {  	s0 =	sadd.s32 $0x8F2B, s0  }
0xc1: {  	[sflag:s0] =	ssyncadd.remote.s32 $0x1  }
0xc2: {  	_ =	sfence.sel $0xFFFF  }
0xc3: {  	[dreg:$0x0] =	wrdreg $0xFFFFFFFF;
	(pc) =	sbr.abs _section_cstart, $3  }
0xc4: {  	[dreg:$0x1] =	wrdreg $0xFFFFFFFF  }
0xc5: {  	_ =	task.clear_ibuf [dreg:s9], $0x2FFFF;
	_ =	strace $0x9FFFFFFF  }
0xc6: {  	(tm) =	ssettm $0x7FFFFFFF  }
0xc7: {  	_ =	shalt  }
tec
execute0_lowered:
.L_overlay_start_1:
0x0: {  	(tag) =	ssettag $0x1  }
0x1: {  	s0 =	rddreg [dreg:$0x2]  }
0x2: {  	s4 =	simm.s32 $0x0;
	s1 =	srdreg.scid;
	s5 =	stileid.u32  }
0x3: {  	s15 =	simm.s32 $0x20;
	s16 =	simm.s32 $0x1800;
	s17 =	simm.s32 $0x1900  }
0x4: {  	s18 =	simm.s32 $0x1880;
	s19 =	simm.s32 $0x2900;
	s20 =	simm.s32 $0x1  }
0x5: {  	s21 =	simm.s32 $0x2;
	s29 =	simm.s32 $0x0;
	s1 =	sand.u32 $0x1, s1  }
0x6: {  	[smem:$0x7FF] =	sst s4;
	s5 =	sshll.u32 s5, $0xA;
	s2 =	ssub.s32 $0x2, s1  }
0x7: {  	v0 =	vlaneseq.u32;
	s6 =	sadd.s32 $0x27AC800, s0;
	s1 =	sshll.u32 s1, $0x9;
	s3 =	sshrl.u32 s2, $0x1  }
0x8: {  	v0 =	vmul.u32 $0x80, v0;
	_ =	strace $0x80000047;
	s1 =	sor.u32 s1, s5;
	s31 =	ssub.s32 s2, s3  }
0x9: {  	s5 =	simm.s32 $0x0;
	[dreg:$0x5] =	wrdreg s1;
	s0 =	smax.u32 s31, $0x1  }
0xa: {  	v1 =	vor.u32 $0x800, v0;
	s2 =	simm.s32 $0x400;
	s3 =	simm.s32 $0x20000;
	[dreg:$0x6] =	wrdreg s0  }
.LBB2_1:
0xb: {  	[dreg:$0x7] =	wrdreg s5;
	s26 =	simm.s32 $0x0  }
.LBB2_2:
0xc: {  	s0 =	sshll.u32 s26, $0x7;
	s1 =	rddreg [dreg:$0x5]  }
0xd: {  	s14 =	rddreg [dreg:$0x1];
	s5 =	sadd.s32 s1, s0  }
0xe: {  	s0 =	sadd.s32 s14, s5  }
0xf: {  	[tilespmem:s4], [sflag:$0x4] =	stream.strided.gather [hbm4b:s0+s2], $0xC00, s3, s2, $0x38;
	[tilespmem:$0x1E100] =	vst v63  }
0x10: {  	s22 =	simm.s32 $0xC00;
	s23 =	simm.s32 $0x4;
	s0 =	sadd.s32 $0xC000, s0  }
0x11: {  	[tilespmem:s22], [sflag:$0x4] =	stream.linear.gather [hbm4b:s0+s4], $0x100, $0x38;
	[tilespmem:$0x1E100] =	vst v63  }
0x12: {  	_ =	swait.ge [sflag:s23], $0xD00  }
0x13: {  	[sflag:s23] =	ssyncset.done $0x0  }
0x14: {  	[sflag:s23] =	ssyncadd.s32 $0xFFFFF300  }
0x15: {  	s24 =	rddreg [dreg:$0x0]  }
0x16: {  	s25 =	simm.s32 $0x1000;
	s0 =	sadd.s32 s24, s5  }
0x17: {  	[tilespmem:s25], [sflag:$0x4] =	stream.linear.gather [hbm4b:s0+s4], $0x400, $0x38;
	[tilespmem:$0x1E100] =	vst v63  }
0x18: {  	s28 =	simm.s32 $0x1400;
	[dreg:$0x8] =	wrdreg s5;
	s0 =	sadd.s32 $0x4000, s0  }
0x19: {  	[tilespmem:s28], [sflag:$0x4] =	stream.linear.gather [hbm4b:s0+s4], $0x280, $0x38;
	[tilespmem:$0x1E100] =	vst v63  }
0x1a: {  	_ =	swait.ge [sflag:s23], $0x680  }
0x1b: {  	p0 =	seq.s32 s26, $0x0;
	[sflag:s23] =	ssyncset.done $0x0  }
0x1c: {  	s0 =	simm.s32 @!p0 $0x3;
	[sflag:s23] =	ssyncadd.s32 $0xFFFFF980  }
0x1d: {  	_ =	swait.ge @!p0 [sflag:s0], $0x1A680  }
0x1e: {  	[sflag:s0] =	ssyncset.done @!p0 $0x0  }
0x1f: {  	[sflag:s0] =	ssyncadd.s32 @!p0 $0xFFFE5980  }
0x20: {  	v2 =	vld [tilespmem:$0x1000]  }
0x21: {  	v3 =	vld [tilespmem:$0x1010]  }
0x22: {  	v4 =	vld [tilespmem:$0x1020]  }
0x23: {  	v5 =	vld [tilespmem:$0x1030]  }
0x24: {  	v6 =	vld [tilespmem:$0x1040]  }
0x25: {  	v7 =	vld [tilespmem:$0x1050]  }
0x26: {  	v53 =	vld [tilespmem:$0x1080];
	[tilespmem:$0x3900] =	vst v2  }
0x27: {  	v54 =	vld [tilespmem:$0x1090];
	[tilespmem:$0x3910] =	vst v3  }
0x28: {  	v55 =	vld [tilespmem:$0x10A0];
	[tilespmem:$0x3920] =	vst v4  }
0x29: {  	v56 =	vld [tilespmem:$0x10B0];
	[tilespmem:$0x3930] =	vst v5  }
0x2a: {  	v57 =	vld [tilespmem:$0x10E0];
	[tilespmem:$0x3940] =	vst v6  }
0x2b: {  	v58 =	vld [tilespmem:$0x10F0];
	[tilespmem:$0x3950] =	vst v7  }
0x2c: {  	v59 =	vld [tilespmem:$0x1100];
	[tilespmem:$0x3980] =	vst v53  }
0x2d: {  	v60 =	vld [tilespmem:$0x1110];
	[tilespmem:$0x3990] =	vst v54  }
0x2e: {  	v61 =	vld [tilespmem:$0x1140];
	[tilespmem:$0x39A0] =	vst v55  }
0x2f: {  	v62 =	vld [tilespmem:$0x1150];
	[tilespmem:$0x39B0] =	vst v56  }
0x30: {  	v63 =	vld [tilespmem:$0x1160];
	[tilespmem:$0x39E0] =	vst v57  }
0x31: {  	v9 =	vld [tilespmem:$0x1170];
	[tilespmem:$0x39F0] =	vst v58  }
0x32: {  	v10 =	vld [tilespmem:$0x11A0];
	[tilespmem:$0x3A00] =	vst v59  }
0x33: {  	v11 =	vld [tilespmem:$0x11B0];
	[tilespmem:$0x3A10] =	vst v60  }
0x34: {  	v12 =	vld [tilespmem:$0x11C0];
	[tilespmem:$0x3A40] =	vst v61  }
0x35: {  	v13 =	vld [tilespmem:$0x11D0];
	[tilespmem:$0x3A50] =	vst v62  }
0x36: {  	v14 =	vld [tilespmem:$0x1200];
	[tilespmem:$0x3A60] =	vst v63  }
0x37: {  	v2 =	vld [tilespmem:$0x1060];
	[tilespmem:$0x3A70] =	vst v9  }
0x38: {  	v3 =	vld [tilespmem:$0x1070];
	[tilespmem:$0x3AA0] =	vst v10  }
0x39: {  	v15 =	vld [tilespmem:$0x1210];
	[tilespmem:$0x3AB0] =	vst v11  }
0x3a: {  	v16 =	vld [tilespmem:$0x1220];
	[tilespmem:$0x3AC0] =	vst v12  }
0x3b: {  	v17 =	vld [tilespmem:$0x1230];
	[tilespmem:$0x3AD0] =	vst v13  }
0x3c: {  	[tilespmem:$0x3960] =	vst v2;
	v2 =	vld [tilespmem:$0x10C0]  }
0x3d: {  	[tilespmem:$0x3970] =	vst v3;
	v3 =	vld [tilespmem:$0x10D0]  }
0x3e: {  	v18 =	vld [tilespmem:$0x1260];
	[tilespmem:$0x3B00] =	vst v14  }
0x3f: {  	v19 =	vld [tilespmem:$0x1270];
	[tilespmem:$0x3B10] =	vst v15  }
0x40: {  	v20 =	vld [tilespmem:$0x1280];
	[tilespmem:$0x3B20] =	vst v16  }
0x41: {  	[tilespmem:$0x39C0] =	vst v2;
	v2 =	vld [tilespmem:$0x1120]  }
0x42: {  	[tilespmem:$0x39D0] =	vst v3;
	v3 =	vld [tilespmem:$0x1130]  }
0x43: {  	v21 =	vld [tilespmem:$0x1290];
	[tilespmem:$0x3B30] =	vst v17  }
0x44: {  	v22 =	vld [tilespmem:$0x12C0];
	[tilespmem:$0x3B60] =	vst v18  }
0x45: {  	v23 =	vld [tilespmem:$0x12D0];
	[tilespmem:$0x3B70] =	vst v19  }
0x46: {  	[tilespmem:$0x3A20] =	vst v2;
	v2 =	vld [tilespmem:$0x1180]  }
0x47: {  	[tilespmem:$0x3A30] =	vst v3;
	v3 =	vld [tilespmem:$0x1190]  }
0x48: {  	v24 =	vld [tilespmem:$0x12E0];
	[tilespmem:$0x3B80] =	vst v20  }
0x49: {  	v25 =	vld [tilespmem:$0x12F0];
	[tilespmem:$0x3B90] =	vst v21  }
0x4a: {  	v26 =	vld [tilespmem:$0x1320];
	[tilespmem:$0x3BC0] =	vst v22  }
0x4b: {  	[tilespmem:$0x3A80] =	vst v2;
	v2 =	vld [tilespmem:$0x11E0]  }
0x4c: {  	[tilespmem:$0x3A90] =	vst v3;
	v3 =	vld [tilespmem:$0x11F0]  }
0x4d: {  	v27 =	vld [tilespmem:$0x1330];
	[tilespmem:$0x3BD0] =	vst v23  }
0x4e: {  	v28 =	vld [tilespmem:$0x1340];
	[tilespmem:$0x3BE0] =	vst v24  }
0x4f: {  	v29 =	vld [tilespmem:$0x1350];
	[tilespmem:$0x3BF0] =	vst v25  }
0x50: {  	[tilespmem:$0x3AE0] =	vst v2;
	v2 =	vld [tilespmem:$0x1240]  }
0x51: {  	[tilespmem:$0x3AF0] =	vst v3;
	v3 =	vld [tilespmem:$0x1250]  }
0x52: {  	v30 =	vld [tilespmem:$0x1380];
	[tilespmem:$0x3C20] =	vst v26  }
0x53: {  	v31 =	vld [tilespmem:$0x1390];
	[tilespmem:$0x3C30] =	vst v27  }
0x54: {  	v32 =	vld [tilespmem:$0x13A0];
	[tilespmem:$0x3C40] =	vst v28  }
0x55: {  	[tilespmem:$0x3B40] =	vst v2;
	v2 =	vld [tilespmem:$0x12A0]  }
0x56: {  	[tilespmem:$0x3B50] =	vst v3;
	v3 =	vld [tilespmem:$0x12B0]  }
0x57: {  	v33 =	vld [tilespmem:$0x13B0];
	[tilespmem:$0x3C50] =	vst v29  }
0x58: {  	v34 =	vld [tilespmem:$0x13E0];
	[tilespmem:$0x3C80] =	vst v30  }
0x59: {  	v35 =	vld [tilespmem:$0x13F0];
	[tilespmem:$0x3C90] =	vst v31  }
0x5a: {  	[tilespmem:$0x3BA0] =	vst v2;
	v2 =	vld [tilespmem:$0x1300]  }
0x5b: {  	[tilespmem:$0x3BB0] =	vst v3;
	v3 =	vld [tilespmem:$0x1310]  }
0x5c: {  	v36 =	vld [tilespmem:$0x1400];
	[tilespmem:$0x3CA0] =	vst v32  }
0x5d: {  	v37 =	vld [tilespmem:$0x1410];
	[tilespmem:$0x3CB0] =	vst v33  }
0x5e: {  	v38 =	vld [tilespmem:$0x1440];
	[tilespmem:$0x3CE0] =	vst v34  }
0x5f: {  	[tilespmem:$0x3C00] =	vst v2;
	v2 =	vld [tilespmem:$0x1360]  }
0x60: {  	[tilespmem:$0x3C10] =	vst v3;
	v3 =	vld [tilespmem:$0x1370]  }
0x61: {  	v39 =	vld [tilespmem:$0x1450];
	[tilespmem:$0x3CF0] =	vst v35  }
0x62: {  	v40 =	vld [tilespmem:$0x1460];
	[tilespmem:$0x3D00] =	vst v36  }
0x63: {  	v41 =	vld [tilespmem:$0x1470];
	[tilespmem:$0x3D10] =	vst v37  }
0x64: {  	[tilespmem:$0x3C60] =	vst v2;
	v2 =	vld [tilespmem:$0x13C0]  }
0x65: {  	[tilespmem:$0x3C70] =	vst v3;
	v3 =	vld [tilespmem:$0x13D0]  }
0x66: {  	v42 =	vld [tilespmem:$0x14A0];
	[tilespmem:$0x3D40] =	vst v38  }
0x67: {  	v43 =	vld [tilespmem:$0x14B0];
	[tilespmem:$0x3D50] =	vst v39  }
0x68: {  	v44 =	vld [tilespmem:$0x14C0];
	[tilespmem:$0x3D60] =	vst v40  }
0x69: {  	[tilespmem:$0x3CC0] =	vst v2;
	v2 =	vld [tilespmem:$0x1420]  }
0x6a: {  	[tilespmem:$0x3CD0] =	vst v3;
	v3 =	vld [tilespmem:$0x1430]  }
0x6b: {  	v45 =	vld [tilespmem:$0x14D0];
	[tilespmem:$0x3D70] =	vst v41  }
0x6c: {  	v46 =	vld [tilespmem:$0x1500];
	[tilespmem:$0x3DA0] =	vst v42  }
0x6d: {  	v47 =	vld [tilespmem:$0x1510];
	[tilespmem:$0x3DB0] =	vst v43  }
0x6e: {  	[tilespmem:$0x3D20] =	vst v2;
	v2 =	vld [tilespmem:$0x1480]  }
0x6f: {  	[tilespmem:$0x3D30] =	vst v3;
	v3 =	vld [tilespmem:$0x1490]  }
0x70: {  	v48 =	vld [tilespmem:$0x1520];
	[tilespmem:$0x3DC0] =	vst v44  }
0x71: {  	v49 =	vld [tilespmem:$0x1530];
	[tilespmem:$0x3DD0] =	vst v45  }
0x72: {  	v50 =	vld [tilespmem:$0x1560];
	[tilespmem:$0x3E00] =	vst v46  }
0x73: {  	[tilespmem:$0x3D80] =	vst v2;
	v2 =	vld [tilespmem:$0x14E0]  }
0x74: {  	[tilespmem:$0x3D90] =	vst v3;
	v3 =	vld [tilespmem:$0x14F0]  }
0x75: {  	v51 =	vld [tilespmem:$0x1570];
	[tilespmem:$0x3E10] =	vst v47  }
0x76: {  	v52 =	vld [tilespmem:$0x1580];
	[tilespmem:$0x3E20] =	vst v48  }
0x77: {  	[tilespmem:$0x3E30] =	vst v49;
	v53 =	vld [tilespmem:$0x1590]  }
0x78: {  	[tilespmem:$0x3DE0] =	vst v2;
	v2 =	vld [tilespmem:$0x1540]  }
0x79: {  	[tilespmem:$0x3DF0] =	vst v3;
	v3 =	vld [tilespmem:$0x1550]  }
0x7a: {  	[tilespmem:$0x3E60] =	vst v50;
	v54 =	vld [tilespmem:$0x15C0]  }
0x7b: {  	[tilespmem:$0x3E70] =	vst v51;
	v55 =	vld [tilespmem:$0x15D0]  }
0x7c: {  	[tilespmem:$0x3E80] =	vst v52;
	v56 =	vld [tilespmem:$0x15E0]  }
0x7d: {  	[tilespmem:$0x3E40] =	vst v2;
	v2 =	vld [tilespmem:$0x15A0]  }
0x7e: {  	[tilespmem:$0x3E50] =	vst v3;
	v3 =	vld [tilespmem:$0x15B0]  }
0x7f: {  	v57 =	vld [tilespmem:$0x15F0];
	[tilespmem:$0x3E90] =	vst v53  }
0x80: {  	v58 =	vld [tilespmem:$0x1620];
	[tilespmem:$0x3EC0] =	vst v54  }
0x81: {  	v59 =	vld [tilespmem:$0x1630];
	[tilespmem:$0x3ED0] =	vst v55  }
0x82: {  	[tilespmem:$0x3EA0] =	vst v2;
	v2 =	vld [tilespmem:$0x1600]  }
0x83: {  	[tilespmem:$0x3EB0] =	vst v3;
	v3 =	vld [tilespmem:$0x1610]  }
0x84: {  	v60 =	vld [tilespmem:$0x1640];
	[tilespmem:$0x3EE0] =	vst v56  }
0x85: {  	v61 =	vld [tilespmem:$0x1650];
	[tilespmem:$0x3EF0] =	vst v57  }
0x86: {  	v62 =	vld [tilespmem:$0x0];
	[tilespmem:$0x3F20] =	vst v58  }
0x87: {  	[tilespmem:$0x3F00] =	vst v2;
	v2 =	vld [tilespmem:$0x1660]  }
0x88: {  	[tilespmem:$0x3F10] =	vst v3;
	v3 =	vld [tilespmem:$0x1670]  }
0x89: {  	v63 =	vld [tilespmem:$0x10];
	[tilespmem:$0x3F30] =	vst v59  }
0x8a: {  	[tilespmem:$0x3F40] =	vst v60  }
0x8b: {  	[tilespmem:$0x3F50] =	vst v61  }
0x8c: {  	[tilespmem:$0x3F60] =	vst v2  }
0x8d: {  	[tilespmem:$0x3F70] =	vst v3;
	v2 =	vshrl.u32 v62, $0x2  }
0x8e: {  	[tilespmem:$0x1800] =	vst v2;
	v2 =	vshrl.u32 v63, $0x2  }
0x8f: {  	[tilespmem:$0x1810] =	vst v2  }
0x90: {  	[tilespmem:s17], [sflag:$0x1] =	stream.indirect.gather [hbm4b:s6+s15], $0x80, s16, s15, $0xb8;
	[tilespmem:$0x1E100] =	vst v63  }
0x91: {  	v2 =	vld [tilespmem:$0x20]  }
0x92: {  	v3 =	vld [tilespmem:$0x30];
	_ =	sdelay $0x3  }
0x93: {  	s30 =	simm.s32 $0x4300;
	s31 =	simm.s32 $0x4310;
	s8 =	simm.s32 $0x4340;
	v2 =	vshrl.u32 v2, $0x2  }
0x94: {  	s11 =	simm.s32 $0x0;
	s1 =	simm.s32 $0x4370;
	s22 =	simm.s32 $0x4360;
	[tilespmem:$0x1880] =	vst v2;
	v2 =	vshrl.u32 v3, $0x2  }
0x95: {  	s5 =	simm.s32 $0x4330;
	s24 =	simm.s32 $0x4350;
	s0 =	simm.s32 $0x4320;
	[tilespmem:$0x1890] =	vst v2  }
0x96: {  	[tilespmem:s19], [sflag:$0x2] =	stream.indirect.gather [hbm4b:s6+s15], $0x80, s18, s15, $0xb8;
	[tilespmem:$0x1E100] =	vst v63  }
.LBB2_3:
0x97: {  	_ =	swait.ge [sflag:s20], $0x1000  }
0x98: {  	s2 =	sshll.u32 s11, $0x7;
	[sflag:s20] =	ssyncset.done $0x0  }
0x99: {  	s2 =	sand.u32 $0x3FFFFF80, s2;
	[sflag:s20] =	ssyncadd.s32 $0xFFFFF000  }
0x9a: {  	v2 =	vld [tilespmem:s2+$0x0];
	_ =	sdelay $0x4  }
0x9b: {  	v2 =	vshll.u32 v2, $0x5  }
0x9c: {  	v2 =	vand.u32 $0x60, v2  }
0x9d: {  	s3 =	simm.s32 $0x7;
	v2 =	vor.u32 v0, v2  }
0x9e: {  	v3 =	vor.u32 s3, v2  }
0x9f: {  	s23 =	simm.s32 $0x6;
	v4 =	vor.u32 s29, v2  }
0xa0: {  	s13 =	simm.s32 $0x5;
	v5 =	vor.u32 s23, v2  }
0xa1: {  	s25 =	simm.s32 $0x4;
	v6 =	vor.u32 s13, v2  }
0xa2: {  	s28 =	simm.s32 $0x3;
	v12 =	vor.u32 s25, v2  }
0xa3: {  	s4 =	simm.s32 $0x1;
	v14 =	vor.u32 s28, v2;
	v11 =	vld.idx.msk [tilespmem:v3+s17+$0x0], $0xffff  }
0xa4: {  	v16 =	vor.u32 s4, v2;
	v18 =	vld.idx.msk [tilespmem:v4+s17+$0x0], $0xffff  }
0xa5: {  	s7 =	simm.s32 $0x2;
	v8 =	vld.idx.msk [tilespmem:v5+s17+$0x0], $0xffff  }
0xa6: {  	s9 =	simm.s32 $0x8;
	s10 =	simm.s32 $0xF;
	s12 =	simm.s32 $0xD;
	v4 =	vor.u32 s7, v2;
	v7 =	vld.idx.msk [tilespmem:v6+s17+$0x0], $0xffff  }
0xa7: {  	s14 =	simm.s32 $0xC;
	v9 =	vor.u32 s9, v2;
	s23 =	simm.s32 $0xE;
	v10 =	vor.u32 s10, v2;
	s25 =	simm.s32 $0xA;
	v13 =	vor.u32 s12, v2;
	v12 =	vld.idx.msk [tilespmem:v12+s17+$0x0], $0xffff  }
0xa8: {  	s28 =	simm.s32 $0x9;
	v15 =	vor.u32 s23, v2;
	v17 =	vor.u32 s25, v2;
	v6 =	vor.u32 s14, v2;
	s7 =	simm.s32 $0xB;
	v14 =	vld.idx.msk [tilespmem:v14+s17+$0x0], $0xffff  }
0xa9: {  	s13 =	smov.u32 s30;
	s3 =	smov.u32 s30;
	v3 =	vor.u32 s28, v2;
	s14 =	simm.s32 $0x10;
	v16 =	vld.idx.msk [tilespmem:v16+s17+$0x0], $0xffff;
	v5 =	vor.u32 s7, v2;
	[tilespmem:s30+$0xFFFFFC80] =	vst v18  }
.LBB2_4:
0xaa: {  	p0 =	slt.u32 s14, $0x18  }
0xab: {  	v18 =	vld.idx.msk [tilespmem:v4+s17+$0x0], $0xffff;
	[tilespmem:s13+$0xFFFFFF80] =	vst v8;
	s3 =	sadd.s32 $0x400, s3;
	v4 =	vmov v17;
	s7 =	smov.u32 s14;
	s14 =	sadd.s32 $0x8, s14  }
0xac: {  	v19 =	vld.idx.msk [tilespmem:v10+s17+$0x0], $0xffff;
	[tilespmem:s13+$0xFFFFFF00] =	vst v7  }
0xad: {  	v20 =	vld.idx.msk [tilespmem:v9+s17+$0x0], $0xffff;
	[tilespmem:s13+$0xFFFFFE80] =	vst v12  }
0xae: {  	v8 =	vld.idx.msk [tilespmem:v15+s17+$0x0], $0xffff;
	[tilespmem:s13+$0x0] =	vst v11  }
.Ltmp0:
0xaf: {  	s23 =	sadd.s32 $0x7, s7;
	v7 =	vld.idx.msk [tilespmem:v13+s17+$0x0], $0xffff;
	[tilespmem:s13+$0xFFFFFE00] =	vst v14;
	(pc) =	sbr.rel @p0 .LBB2_4-.Ltmp0, $4  }
0xb0: {  	s25 =	sadd.s32 $0x4, s7;
	s9 =	sadd.s32 $0x5, s7;
	s10 =	sadd.s32 $0x6, s7;
	v9 =	vor.u32 s7, v2;
	v10 =	vor.u32 s23, v2;
	v12 =	vld.idx.msk [tilespmem:v6+s17+$0x0], $0xffff;
	[tilespmem:s13+$0xFFFFFD00] =	vst v16  }
0xb1: {  	s4 =	sadd.s32 $0x2, s7;
	s23 =	sadd.s32 $0x1, s7;
	s7 =	sadd.s32 $0x3, s7;
	v15 =	vor.u32 s10, v2;
	v13 =	vor.u32 s9, v2;
	v6 =	vor.u32 s25, v2;
	[tilespmem:s13+$0xFFFFFD80] =	vst v18  }
0xb2: {  	v17 =	vor.u32 s4, v2;
	v18 =	vor.u32 s23, v2;
	v11 =	vmovc v19;
	s13 =	smov.u32 s3;
	v14 =	vld.idx.msk [tilespmem:v5+s17+$0x0], $0xffff;
	v5 =	vor.u32 s7, v2  }
0xb3: {  	[tilespmem:s3+$0xFFFFFC80] =	vst v20;
	v16 =	vld.idx.msk [tilespmem:v3+s17+$0x0], $0xffff;
	v3 =	vmov v18  }
0xb4: {  	_ =	sdelay $0x2  }
0xb5: {  	[tilespmem:s13+$0xFFFFFF80] =	vst v8  }
0xb6: {  	v2 =	vld.idx.msk [tilespmem:v4+s17+$0x0], $0xffff;
	[tilespmem:s13+$0xFFFFFF00] =	vst v7  }
0xb7: {  	v4 =	vld.idx.msk [tilespmem:v9+s17+$0x0], $0xffff;
	[tilespmem:s13+$0x0] =	vst v11  }
0xb8: {  	v7 =	vld.idx.msk [tilespmem:v15+s17+$0x0], $0xffff;
	[tilespmem:s13+$0xFFFFFE80] =	vst v12  }
0xb9: {  	v8 =	vld.idx.msk [tilespmem:v13+s17+$0x0], $0xffff;
	[tilespmem:s13+$0xFFFFFE00] =	vst v14  }
0xba: {  	v6 =	vld.idx.msk [tilespmem:v6+s17+$0x0], $0xffff;
	[tilespmem:s13+$0xFFFFFD00] =	vst v16  }
0xbb: {  	s3 =	sadd.s32 $0x400, s3;
	v9 =	vld.idx.msk [tilespmem:v10+s17+$0x0], $0xffff;
	[tilespmem:s13+$0xFFFFFD80] =	vst v2  }
0xbc: {  	v3 =	vld.idx.msk [tilespmem:v3+s17+$0x0], $0xffff;
	[tilespmem:s3+$0xFFFFFC80] =	vst v4  }
0xbd: {  	v2 =	vld.idx.msk [tilespmem:v5+s17+$0x0], $0xffff;
	[tilespmem:s3+$0xFFFFFF80] =	vst v7  }
0xbe: {  	v4 =	vld.idx.msk [tilespmem:v17+s17+$0x0], $0xffff;
	[tilespmem:s3+$0xFFFFFF00] =	vst v8  }
0xbf: {  	[tilespmem:s3+$0xFFFFFE80] =	vst v6  }
0xc0: {  	[tilespmem:s3+$0x0] =	vst v9  }
0xc1: {  	[tilespmem:s3+$0xFFFFFD00] =	vst v3  }
0xc2: {  	[tilespmem:s3+$0xFFFFFE00] =	vst v2  }
0xc3: {  	[tilespmem:s3+$0xFFFFFD80] =	vst v4  }
0xc4: {  	v2 =	vld [tilespmem:s2+$0x10];
	_ =	sdelay $0x4  }
0xc5: {  	v2 =	vshll.u32 v2, $0x5  }
0xc6: {  	v2 =	vand.u32 $0x60, v2  }
0xc7: {  	s23 =	simm.s32 $0x7;
	v2 =	vor.u32 v1, v2  }
0xc8: {  	s4 =	simm.s32 $0x0;
	v3 =	vor.u32 s23, v2  }
0xc9: {  	s25 =	simm.s32 $0x6;
	v4 =	vor.u32 s4, v2  }
0xca: {  	s28 =	simm.s32 $0x5;
	v5 =	vor.u32 s25, v2  }
0xcb: {  	s7 =	simm.s32 $0x4;
	v6 =	vor.u32 s28, v2  }
0xcc: {  	s9 =	simm.s32 $0x3;
	v12 =	vor.u32 s7, v2  }
0xcd: {  	s10 =	simm.s32 $0x1;
	v14 =	vor.u32 s9, v2;
	v11 =	vld.idx.msk [tilespmem:v3+s17+$0x0], $0xffff  }
0xce: {  	v16 =	vor.u32 s10, v2;
	v18 =	vld.idx.msk [tilespmem:v4+s17+$0x0], $0xffff  }
0xcf: {  	s12 =	simm.s32 $0x2;
	v8 =	vld.idx.msk [tilespmem:v5+s17+$0x0], $0xffff  }
0xd0: {  	s14 =	simm.s32 $0xF;
	s13 =	simm.s32 $0x8;
	s23 =	simm.s32 $0xD;
	v4 =	vor.u32 s12, v2;
	v7 =	vld.idx.msk [tilespmem:v6+s17+$0x0], $0xffff  }
0xd1: {  	s7 =	simm.s32 $0xC;
	v9 =	vor.u32 s13, v2;
	s9 =	simm.s32 $0xE;
	v10 =	vor.u32 s14, v2;
	s28 =	simm.s32 $0xA;
	v13 =	vor.u32 s23, v2;
	v12 =	vld.idx.msk [tilespmem:v12+s17+$0x0], $0xffff  }
0xd2: {  	s25 =	simm.s32 $0x9;
	s10 =	simm.s32 $0xB;
	v15 =	vor.u32 s9, v2;
	v17 =	vor.u32 s28, v2;
	v6 =	vor.u32 s7, v2;
	v14 =	vld.idx.msk [tilespmem:v14+s17+$0x0], $0xffff  }
0xd3: {  	s3 =	smov.u32 s31;
	s14 =	simm.s32 $0x10;
	s13 =	smov.u32 s31;
	v3 =	vor.u32 s25, v2;
	v5 =	vor.u32 s10, v2;
	v16 =	vld.idx.msk [tilespmem:v16+s17+$0x0], $0xffff;
	[tilespmem:s31+$0xFFFFFC80] =	vst v18  }
.LBB2_6:
0xd4: {  	p0 =	slt.u32 s14, $0x18  }
0xd5: {  	v18 =	vld.idx.msk [tilespmem:v4+s17+$0x0], $0xffff;
	[tilespmem:s13+$0xFFFFFF80] =	vst v8;
	s3 =	sadd.s32 $0x400, s3;
	v4 =	vmov v17;
	s4 =	smov.u32 s14;
	s14 =	sadd.s32 $0x8, s14  }
0xd6: {  	v19 =	vld.idx.msk [tilespmem:v10+s17+$0x0], $0xffff;
	[tilespmem:s13+$0xFFFFFF00] =	vst v7  }
0xd7: {  	v20 =	vld.idx.msk [tilespmem:v9+s17+$0x0], $0xffff;
	[tilespmem:s13+$0xFFFFFE80] =	vst v12  }
0xd8: {  	v8 =	vld.idx.msk [tilespmem:v15+s17+$0x0], $0xffff;
	[tilespmem:s13+$0x0] =	vst v11  }
.Ltmp1:
0xd9: {  	s7 =	sadd.s32 $0x7, s4;
	v7 =	vld.idx.msk [tilespmem:v13+s17+$0x0], $0xffff;
	[tilespmem:s13+$0xFFFFFE00] =	vst v14;
	(pc) =	sbr.rel @p0 .LBB2_6-.Ltmp1, $4  }
0xda: {  	s9 =	sadd.s32 $0x4, s4;
	s10 =	sadd.s32 $0x5, s4;
	s23 =	sadd.s32 $0x6, s4;
	v9 =	vor.u32 s4, v2;
	v10 =	vor.u32 s7, v2;
	v12 =	vld.idx.msk [tilespmem:v6+s17+$0x0], $0xffff;
	[tilespmem:s13+$0xFFFFFD00] =	vst v16  }
0xdb: {  	s25 =	sadd.s32 $0x2, s4;
	s7 =	sadd.s32 $0x1, s4;
	s4 =	sadd.s32 $0x3, s4;
	v15 =	vor.u32 s23, v2;
	v13 =	vor.u32 s10, v2;
	v6 =	vor.u32 s9, v2;
	[tilespmem:s13+$0xFFFFFD80] =	vst v18  }
0xdc: {  	v17 =	vor.u32 s25, v2;
	v18 =	vor.u32 s7, v2;
	v11 =	vmovc v19;
	s13 =	smov.u32 s3;
	v14 =	vld.idx.msk [tilespmem:v5+s17+$0x0], $0xffff;
	v5 =	vor.u32 s4, v2  }
0xdd: {  	[tilespmem:s3+$0xFFFFFC80] =	vst v20;
	v16 =	vld.idx.msk [tilespmem:v3+s17+$0x0], $0xffff;
	v3 =	vmov v18  }
0xde: {  	_ =	sdelay $0x2  }
0xdf: {  	[tilespmem:s13+$0xFFFFFF80] =	vst v8  }
0xe0: {  	v2 =	vld.idx.msk [tilespmem:v4+s17+$0x0], $0xffff;
	[tilespmem:s13+$0xFFFFFF00] =	vst v7  }
0xe1: {  	v4 =	vld.idx.msk [tilespmem:v9+s17+$0x0], $0xffff;
	[tilespmem:s13+$0x0] =	vst v11  }
0xe2: {  	v7 =	vld.idx.msk [tilespmem:v15+s17+$0x0], $0xffff;
	[tilespmem:s13+$0xFFFFFE80] =	vst v12  }
0xe3: {  	v8 =	vld.idx.msk [tilespmem:v13+s17+$0x0], $0xffff;
	[tilespmem:s13+$0xFFFFFE00] =	vst v14  }
0xe4: {  	v6 =	vld.idx.msk [tilespmem:v6+s17+$0x0], $0xffff;
	[tilespmem:s13+$0xFFFFFD00] =	vst v16  }
0xe5: {  	s3 =	sadd.s32 $0x400, s3;
	v9 =	vld.idx.msk [tilespmem:v10+s17+$0x0], $0xffff;
	[tilespmem:s13+$0xFFFFFD80] =	vst v2  }
0xe6: {  	v3 =	vld.idx.msk [tilespmem:v3+s17+$0x0], $0xffff;
	[tilespmem:s3+$0xFFFFFC80] =	vst v4  }
0xe7: {  	v2 =	vld.idx.msk [tilespmem:v5+s17+$0x0], $0xffff;
	[tilespmem:s3+$0xFFFFFF80] =	vst v7  }
0xe8: {  	v4 =	vld.idx.msk [tilespmem:v17+s17+$0x0], $0xffff;
	[tilespmem:s3+$0xFFFFFF00] =	vst v8  }
0xe9: {  	[tilespmem:s3+$0xFFFFFE80] =	vst v6  }
0xea: {  	[tilespmem:s3+$0x0] =	vst v9  }
0xeb: {  	[tilespmem:s3+$0xFFFFFD00] =	vst v3  }
0xec: {  	[tilespmem:s3+$0xFFFFFE00] =	vst v2  }
0xed: {  	[tilespmem:s3+$0xFFFFFD80] =	vst v4  }
0xee: {  	v2 =	vld [tilespmem:s2+$0x40];
	_ =	sdelay $0x3  }
0xef: {  	s13 =	smul.u32 $0x61A8, s11  }
0xf0: {  	v2 =	vshrl.u32 v2, $0x2  }
0xf1: {  	v2 =	vadd.s32 s13, v2  }
0xf2: {  	[tilespmem:$0x1800] =	vst v2  }
0xf3: {  	v2 =	vld [tilespmem:s2+$0x50];
	_ =	sdelay $0x4  }
0xf4: {  	v2 =	vshrl.u32 v2, $0x2  }
0xf5: {  	v2 =	vadd.s32 s13, v2  }
0xf6: {  	[tilespmem:$0x1810] =	vst v2  }
0xf7: {  	[tilespmem:s17], [sflag:$0x1] =	stream.indirect.gather [hbm4b:s6+s15], $0x80, s16, s15, $0xb8;
	[tilespmem:$0x1E100] =	vst v63  }
0xf8: {  	_ =	swait.ge [sflag:s21], $0x1000  }
0xf9: {  	[sflag:s21] =	ssyncset.done $0x0  }
0xfa: {  	[sflag:s21] =	ssyncadd.s32 $0xFFFFF000  }
0xfb: {  	v2 =	vld [tilespmem:s2+$0x20];
	_ =	sdelay $0x4  }
0xfc: {  	v2 =	vshll.u32 v2, $0x5  }
0xfd: {  	v2 =	vand.u32 $0x60, v2  }
0xfe: {  	s4 =	simm.s32 $0x7;
	v3 =	vor.u32 v0, v2  }
0xff: {  	s7 =	simm.s32 $0x0;
	v2 =	vor.u32 s4, v3  }
0x100: {  	s14 =	simm.s32 $0x6;
	v4 =	vor.u32 s7, v3  }
0x101: {  	s23 =	simm.s32 $0x5;
	v5 =	vor.u32 s14, v3  }
0x102: {  	s25 =	simm.s32 $0x4;
	v6 =	vor.u32 s23, v3  }
0x103: {  	s28 =	simm.s32 $0x3;
	v7 =	vor.u32 s25, v3  }
0x104: {  	s9 =	simm.s32 $0x1;
	v15 =	vor.u32 s28, v3;
	v12 =	vld.idx.msk [tilespmem:v2+s19+$0x0], $0xffff  }
0x105: {  	v17 =	vor.u32 s9, v3;
	v19 =	vld.idx.msk [tilespmem:v4+s19+$0x0], $0xffff  }
0x106: {  	s10 =	simm.s32 $0x2;
	v8 =	vld.idx.msk [tilespmem:v5+s19+$0x0], $0xffff  }
0x107: {  	s12 =	simm.s32 $0x8;
	s23 =	simm.s32 $0xD;
	v2 =	vmov s13;
	v5 =	vor.u32 s10, v3;
	s13 =	simm.s32 $0xF;
	v9 =	vld.idx.msk [tilespmem:v6+s19+$0x0], $0xffff  }
0x108: {  	s14 =	simm.s32 $0xC;
	v10 =	vor.u32 s12, v3;
	s9 =	simm.s32 $0xE;
	s28 =	simm.s32 $0xA;
	v14 =	vor.u32 s23, v3;
	v13 =	vld.idx.msk [tilespmem:v7+s19+$0x0], $0xffff;
	v11 =	vor.u32 s13, v3  }
0x109: {  	s25 =	simm.s32 $0x9;
	v16 =	vor.u32 s9, v3;
	v18 =	vor.u32 s28, v3;
	v7 =	vor.u32 s14, v3;
	s10 =	simm.s32 $0xB;
	v15 =	vld.idx.msk [tilespmem:v15+s19+$0x0], $0xffff  }
0x10a: {  	s3 =	smov.u32 s0;
	v4 =	vor.u32 s25, v3;
	s14 =	simm.s32 $0x10;
	v17 =	vld.idx.msk [tilespmem:v17+s19+$0x0], $0xffff;
	v6 =	vor.u32 s10, v3;
	s13 =	smov.u32 s0;
	[tilespmem:s0+$0xFFFFFC80] =	vst v19  }
.LBB2_8:
0x10b: {  	p0 =	slt.u32 s14, $0x18  }
0x10c: {  	v19 =	vld.idx.msk [tilespmem:v5+s19+$0x0], $0xffff;
	[tilespmem:s13+$0xFFFFFF80] =	vst v8;
	s3 =	sadd.s32 $0x400, s3;
	v5 =	vmov v18;
	s4 =	smov.u32 s14;
	s14 =	sadd.s32 $0x8, s14  }
0x10d: {  	v20 =	vld.idx.msk [tilespmem:v11+s19+$0x0], $0xffff;
	[tilespmem:s13+$0xFFFFFF00] =	vst v9  }
0x10e: {  	v21 =	vld.idx.msk [tilespmem:v10+s19+$0x0], $0xffff;
	[tilespmem:s13+$0xFFFFFE80] =	vst v13  }
0x10f: {  	v8 =	vld.idx.msk [tilespmem:v16+s19+$0x0], $0xffff;
	[tilespmem:s13+$0x0] =	vst v12  }
.Ltmp2:
0x110: {  	s7 =	sadd.s32 $0x7, s4;
	v9 =	vld.idx.msk [tilespmem:v14+s19+$0x0], $0xffff;
	[tilespmem:s13+$0xFFFFFE00] =	vst v15;
	(pc) =	sbr.rel @p0 .LBB2_8-.Ltmp2, $4  }
0x111: {  	s9 =	sadd.s32 $0x4, s4;
	s10 =	sadd.s32 $0x5, s4;
	s23 =	sadd.s32 $0x6, s4;
	v10 =	vor.u32 s4, v3;
	v11 =	vor.u32 s7, v3;
	v13 =	vld.idx.msk [tilespmem:v7+s19+$0x0], $0xffff;
	[tilespmem:s13+$0xFFFFFD00] =	vst v17  }
0x112: {  	s25 =	sadd.s32 $0x2, s4;
	s7 =	sadd.s32 $0x1, s4;
	s4 =	sadd.s32 $0x3, s4;
	v16 =	vor.u32 s23, v3;
	v14 =	vor.u32 s10, v3;
	v7 =	vor.u32 s9, v3;
	[tilespmem:s13+$0xFFFFFD80] =	vst v19  }
0x113: {  	v18 =	vor.u32 s25, v3;
	v19 =	vor.u32 s7, v3;
	v12 =	vmovc v20;
	s13 =	smov.u32 s3;
	v15 =	vld.idx.msk [tilespmem:v6+s19+$0x0], $0xffff;
	v6 =	vor.u32 s4, v3  }
0x114: {  	[tilespmem:s3+$0xFFFFFC80] =	vst v21;
	v17 =	vld.idx.msk [tilespmem:v4+s19+$0x0], $0xffff;
	v4 =	vmov v19  }
0x115: {  	_ =	sdelay $0x2  }
0x116: {  	[tilespmem:s13+$0xFFFFFF80] =	vst v8  }
0x117: {  	v3 =	vld.idx.msk [tilespmem:v5+s19+$0x0], $0xffff;
	[tilespmem:s13+$0xFFFFFF00] =	vst v9  }
0x118: {  	v5 =	vld.idx.msk [tilespmem:v10+s19+$0x0], $0xffff;
	[tilespmem:s13+$0x0] =	vst v12  }
0x119: {  	v8 =	vld.idx.msk [tilespmem:v16+s19+$0x0], $0xffff;
	[tilespmem:s13+$0xFFFFFE80] =	vst v13  }
0x11a: {  	v9 =	vld.idx.msk [tilespmem:v14+s19+$0x0], $0xffff;
	[tilespmem:s13+$0xFFFFFE00] =	vst v15  }
0x11b: {  	v7 =	vld.idx.msk [tilespmem:v7+s19+$0x0], $0xffff;
	[tilespmem:s13+$0xFFFFFD00] =	vst v17  }
0x11c: {  	s3 =	sadd.s32 $0x400, s3;
	v10 =	vld.idx.msk [tilespmem:v11+s19+$0x0], $0xffff;
	[tilespmem:s13+$0xFFFFFD80] =	vst v3  }
0x11d: {  	v4 =	vld.idx.msk [tilespmem:v4+s19+$0x0], $0xffff;
	[tilespmem:s3+$0xFFFFFC80] =	vst v5  }
0x11e: {  	v3 =	vld.idx.msk [tilespmem:v6+s19+$0x0], $0xffff;
	[tilespmem:s3+$0xFFFFFF80] =	vst v8  }
0x11f: {  	v5 =	vld.idx.msk [tilespmem:v18+s19+$0x0], $0xffff;
	[tilespmem:s3+$0xFFFFFF00] =	vst v9  }
0x120: {  	[tilespmem:s3+$0xFFFFFE80] =	vst v7  }
0x121: {  	[tilespmem:s3+$0x0] =	vst v10  }
0x122: {  	[tilespmem:s3+$0xFFFFFD00] =	vst v4  }
0x123: {  	[tilespmem:s3+$0xFFFFFE00] =	vst v3  }
0x124: {  	[tilespmem:s3+$0xFFFFFD80] =	vst v5  }
0x125: {  	v3 =	vld [tilespmem:s2+$0x30];
	_ =	sdelay $0x4  }
0x126: {  	v3 =	vshll.u32 v3, $0x5  }
0x127: {  	v3 =	vand.u32 $0x60, v3  }
0x128: {  	s23 =	simm.s32 $0x7;
	v3 =	vor.u32 v1, v3  }
0x129: {  	s4 =	simm.s32 $0x0;
	v4 =	vor.u32 s23, v3  }
0x12a: {  	s25 =	simm.s32 $0x6;
	v5 =	vor.u32 s4, v3  }
0x12b: {  	s28 =	simm.s32 $0x5;
	v6 =	vor.u32 s25, v3  }
0x12c: {  	s7 =	simm.s32 $0x4;
	v7 =	vor.u32 s28, v3  }
0x12d: {  	s9 =	simm.s32 $0x3;
	v13 =	vor.u32 s7, v3  }
0x12e: {  	s10 =	simm.s32 $0x1;
	v15 =	vor.u32 s9, v3;
	v12 =	vld.idx.msk [tilespmem:v4+s19+$0x0], $0xffff  }
0x12f: {  	v17 =	vor.u32 s10, v3;
	v19 =	vld.idx.msk [tilespmem:v5+s19+$0x0], $0xffff  }
0x130: {  	s12 =	simm.s32 $0x2;
	v9 =	vld.idx.msk [tilespmem:v6+s19+$0x0], $0xffff  }
0x131: {  	s14 =	simm.s32 $0xF;
	s13 =	simm.s32 $0x8;
	s23 =	simm.s32 $0xD;
	v5 =	vor.u32 s12, v3;
	v8 =	vld.idx.msk [tilespmem:v7+s19+$0x0], $0xffff  }
0x132: {  	s7 =	simm.s32 $0xC;
	v10 =	vor.u32 s13, v3;
	s9 =	simm.s32 $0xE;
	v11 =	vor.u32 s14, v3;
	s28 =	simm.s32 $0xA;
	v14 =	vor.u32 s23, v3;
	v13 =	vld.idx.msk [tilespmem:v13+s19+$0x0], $0xffff  }
0x133: {  	s25 =	simm.s32 $0x9;
	s10 =	simm.s32 $0xB;
	v16 =	vor.u32 s9, v3;
	v18 =	vor.u32 s28, v3;
	v7 =	vor.u32 s7, v3;
	v15 =	vld.idx.msk [tilespmem:v15+s19+$0x0], $0xffff  }
0x134: {  	s3 =	smov.u32 s5;
	s14 =	simm.s32 $0x10;
	s13 =	smov.u32 s5;
	v4 =	vor.u32 s25, v3;
	v6 =	vor.u32 s10, v3;
	v17 =	vld.idx.msk [tilespmem:v17+s19+$0x0], $0xffff;
	[tilespmem:s5+$0xFFFFFC80] =	vst v19  }
.LBB2_10:
0x135: {  	p0 =	slt.u32 s14, $0x18  }
0x136: {  	v19 =	vld.idx.msk [tilespmem:v5+s19+$0x0], $0xffff;
	[tilespmem:s13+$0xFFFFFF80] =	vst v9;
	s3 =	sadd.s32 $0x400, s3;
	v5 =	vmov v18;
	s4 =	smov.u32 s14;
	s14 =	sadd.s32 $0x8, s14  }
0x137: {  	v20 =	vld.idx.msk [tilespmem:v11+s19+$0x0], $0xffff;
	[tilespmem:s13+$0xFFFFFF00] =	vst v8  }
0x138: {  	v21 =	vld.idx.msk [tilespmem:v10+s19+$0x0], $0xffff;
	[tilespmem:s13+$0xFFFFFE80] =	vst v13  }
0x139: {  	v9 =	vld.idx.msk [tilespmem:v16+s19+$0x0], $0xffff;
	[tilespmem:s13+$0x0] =	vst v12  }
.Ltmp3:
0x13a: {  	s7 =	sadd.s32 $0x7, s4;
	v8 =	vld.idx.msk [tilespmem:v14+s19+$0x0], $0xffff;
	[tilespmem:s13+$0xFFFFFE00] =	vst v15;
	(pc) =	sbr.rel @p0 .LBB2_10-.Ltmp3, $4  }
0x13b: {  	s9 =	sadd.s32 $0x4, s4;
	s10 =	sadd.s32 $0x5, s4;
	s23 =	sadd.s32 $0x6, s4;
	v10 =	vor.u32 s4, v3;
	v11 =	vor.u32 s7, v3;
	v13 =	vld.idx.msk [tilespmem:v7+s19+$0x0], $0xffff;
	[tilespmem:s13+$0xFFFFFD00] =	vst v17  }
0x13c: {  	s25 =	sadd.s32 $0x2, s4;
	s7 =	sadd.s32 $0x1, s4;
	s4 =	sadd.s32 $0x3, s4;
	v16 =	vor.u32 s23, v3;
	v14 =	vor.u32 s10, v3;
	v7 =	vor.u32 s9, v3;
	[tilespmem:s13+$0xFFFFFD80] =	vst v19  }
0x13d: {  	v18 =	vor.u32 s25, v3;
	v19 =	vor.u32 s7, v3;
	v12 =	vmovc v20;
	s13 =	smov.u32 s3;
	v15 =	vld.idx.msk [tilespmem:v6+s19+$0x0], $0xffff;
	v6 =	vor.u32 s4, v3  }
0x13e: {  	[tilespmem:s3+$0xFFFFFC80] =	vst v21;
	v17 =	vld.idx.msk [tilespmem:v4+s19+$0x0], $0xffff;
	v4 =	vmov v19  }
0x13f: {  	_ =	sdelay $0x2  }
0x140: {  	[tilespmem:s13+$0xFFFFFF80] =	vst v9  }
0x141: {  	v3 =	vld.idx.msk [tilespmem:v5+s19+$0x0], $0xffff;
	[tilespmem:s13+$0xFFFFFF00] =	vst v8  }
0x142: {  	v5 =	vld.idx.msk [tilespmem:v10+s19+$0x0], $0xffff;
	[tilespmem:s13+$0x0] =	vst v12  }
0x143: {  	v8 =	vld.idx.msk [tilespmem:v16+s19+$0x0], $0xffff;
	[tilespmem:s13+$0xFFFFFE80] =	vst v13  }
0x144: {  	v9 =	vld.idx.msk [tilespmem:v14+s19+$0x0], $0xffff;
	[tilespmem:s13+$0xFFFFFE00] =	vst v15  }
0x145: {  	v7 =	vld.idx.msk [tilespmem:v7+s19+$0x0], $0xffff;
	[tilespmem:s13+$0xFFFFFD00] =	vst v17  }
0x146: {  	s3 =	sadd.s32 $0x400, s3;
	v10 =	vld.idx.msk [tilespmem:v11+s19+$0x0], $0xffff;
	[tilespmem:s13+$0xFFFFFD80] =	vst v3  }
0x147: {  	v4 =	vld.idx.msk [tilespmem:v4+s19+$0x0], $0xffff;
	[tilespmem:s3+$0xFFFFFC80] =	vst v5  }
0x148: {  	v3 =	vld.idx.msk [tilespmem:v6+s19+$0x0], $0xffff;
	[tilespmem:s3+$0xFFFFFF80] =	vst v8  }
0x149: {  	v5 =	vld.idx.msk [tilespmem:v18+s19+$0x0], $0xffff;
	[tilespmem:s3+$0xFFFFFF00] =	vst v9  }
0x14a: {  	[tilespmem:s3+$0xFFFFFE80] =	vst v7  }
0x14b: {  	[tilespmem:s3+$0x0] =	vst v10  }
0x14c: {  	[tilespmem:s3+$0xFFFFFD00] =	vst v4  }
0x14d: {  	[tilespmem:s3+$0xFFFFFE00] =	vst v3  }
0x14e: {  	[tilespmem:s3+$0xFFFFFD80] =	vst v5  }
0x14f: {  	v3 =	vld [tilespmem:s2+$0x60];
	_ =	sdelay $0x4  }
0x150: {  	v3 =	vshrl.u32 v3, $0x2  }
0x151: {  	v3 =	vadd.s32 v2, v3  }
0x152: {  	[tilespmem:$0x1880] =	vst v3  }
0x153: {  	v3 =	vld [tilespmem:s2+$0x70];
	_ =	sdelay $0x4  }
0x154: {  	v3 =	vshrl.u32 v3, $0x2  }
0x155: {  	v2 =	vadd.s32 v2, v3  }
0x156: {  	[tilespmem:$0x1890] =	vst v2  }
0x157: {  	[tilespmem:s19], [sflag:$0x2] =	stream.indirect.gather [hbm4b:s6+s15], $0x80, s18, s15, $0xb8;
	[tilespmem:$0x1E100] =	vst v63  }
0x158: {  	_ =	swait.ge [sflag:s20], $0x1000  }
0x159: {  	[sflag:s20] =	ssyncset.done $0x0  }
0x15a: {  	[sflag:s20] =	ssyncadd.s32 $0xFFFFF000  }
0x15b: {  	v2 =	vld [tilespmem:s2+$0x40];
	_ =	sdelay $0x4  }
0x15c: {  	v2 =	vshll.u32 v2, $0x5  }
0x15d: {  	v2 =	vand.u32 $0x60, v2  }
0x15e: {  	s23 =	simm.s32 $0x7;
	v2 =	vor.u32 v0, v2  }
0x15f: {  	s4 =	simm.s32 $0x0;
	v3 =	vor.u32 s23, v2  }
0x160: {  	s25 =	simm.s32 $0x6;
	v4 =	vor.u32 s4, v2  }
0x161: {  	s28 =	simm.s32 $0x5;
	v5 =	vor.u32 s25, v2  }
0x162: {  	s7 =	simm.s32 $0x4;
	v6 =	vor.u32 s28, v2  }
0x163: {  	s9 =	simm.s32 $0x3;
	v12 =	vor.u32 s7, v2  }
0x164: {  	s10 =	simm.s32 $0x1;
	v14 =	vor.u32 s9, v2;
	v11 =	vld.idx.msk [tilespmem:v3+s17+$0x0], $0xffff  }
0x165: {  	v16 =	vor.u32 s10, v2;
	v18 =	vld.idx.msk [tilespmem:v4+s17+$0x0], $0xffff  }
0x166: {  	s12 =	simm.s32 $0x2;
	v8 =	vld.idx.msk [tilespmem:v5+s17+$0x0], $0xffff  }
0x167: {  	s14 =	simm.s32 $0xF;
	s13 =	simm.s32 $0x8;
	s23 =	simm.s32 $0xD;
	v4 =	vor.u32 s12, v2;
	v7 =	vld.idx.msk [tilespmem:v6+s17+$0x0], $0xffff  }
0x168: {  	s7 =	simm.s32 $0xC;
	v9 =	vor.u32 s13, v2;
	s9 =	simm.s32 $0xE;
	v10 =	vor.u32 s14, v2;
	s28 =	simm.s32 $0xA;
	v13 =	vor.u32 s23, v2;
	v12 =	vld.idx.msk [tilespmem:v12+s17+$0x0], $0xffff  }
0x169: {  	s25 =	simm.s32 $0x9;
	s10 =	simm.s32 $0xB;
	v15 =	vor.u32 s9, v2;
	v17 =	vor.u32 s28, v2;
	v6 =	vor.u32 s7, v2;
	v14 =	vld.idx.msk [tilespmem:v14+s17+$0x0], $0xffff  }
0x16a: {  	s3 =	smov.u32 s8;
	s14 =	simm.s32 $0x10;
	s13 =	smov.u32 s8;
	v3 =	vor.u32 s25, v2;
	v5 =	vor.u32 s10, v2;
	v16 =	vld.idx.msk [tilespmem:v16+s17+$0x0], $0xffff;
	[tilespmem:s8+$0xFFFFFC80] =	vst v18  }
.LBB2_12:
0x16b: {  	p0 =	slt.u32 s14, $0x18  }
0x16c: {  	v18 =	vld.idx.msk [tilespmem:v4+s17+$0x0], $0xffff;
	[tilespmem:s13+$0xFFFFFF80] =	vst v8;
	s3 =	sadd.s32 $0x400, s3;
	v4 =	vmov v17;
	s4 =	smov.u32 s14;
	s14 =	sadd.s32 $0x8, s14  }
0x16d: {  	v19 =	vld.idx.msk [tilespmem:v10+s17+$0x0], $0xffff;
	[tilespmem:s13+$0xFFFFFF00] =	vst v7  }
0x16e: {  	v20 =	vld.idx.msk [tilespmem:v9+s17+$0x0], $0xffff;
	[tilespmem:s13+$0xFFFFFE80] =	vst v12  }
0x16f: {  	v8 =	vld.idx.msk [tilespmem:v15+s17+$0x0], $0xffff;
	[tilespmem:s13+$0x0] =	vst v11  }
.Ltmp4:
0x170: {  	s7 =	sadd.s32 $0x7, s4;
	v7 =	vld.idx.msk [tilespmem:v13+s17+$0x0], $0xffff;
	[tilespmem:s13+$0xFFFFFE00] =	vst v14;
	(pc) =	sbr.rel @p0 .LBB2_12-.Ltmp4, $4  }
0x171: {  	s9 =	sadd.s32 $0x4, s4;
	s10 =	sadd.s32 $0x5, s4;
	s23 =	sadd.s32 $0x6, s4;
	v9 =	vor.u32 s4, v2;
	v10 =	vor.u32 s7, v2;
	v12 =	vld.idx.msk [tilespmem:v6+s17+$0x0], $0xffff;
	[tilespmem:s13+$0xFFFFFD00] =	vst v16  }
0x172: {  	s25 =	sadd.s32 $0x2, s4;
	s7 =	sadd.s32 $0x1, s4;
	s4 =	sadd.s32 $0x3, s4;
	v15 =	vor.u32 s23, v2;
	v13 =	vor.u32 s10, v2;
	v6 =	vor.u32 s9, v2;
	[tilespmem:s13+$0xFFFFFD80] =	vst v18  }
0x173: {  	v17 =	vor.u32 s25, v2;
	v18 =	vor.u32 s7, v2;
	v11 =	vmovc v19;
	s13 =	smov.u32 s3;
	v14 =	vld.idx.msk [tilespmem:v5+s17+$0x0], $0xffff;
	v5 =	vor.u32 s4, v2  }
0x174: {  	[tilespmem:s3+$0xFFFFFC80] =	vst v20;
	v16 =	vld.idx.msk [tilespmem:v3+s17+$0x0], $0xffff;
	v3 =	vmov v18  }
0x175: {  	_ =	sdelay $0x2  }
0x176: {  	[tilespmem:s13+$0xFFFFFF80] =	vst v8  }
0x177: {  	v2 =	vld.idx.msk [tilespmem:v4+s17+$0x0], $0xffff;
	[tilespmem:s13+$0xFFFFFF00] =	vst v7  }
0x178: {  	v4 =	vld.idx.msk [tilespmem:v9+s17+$0x0], $0xffff;
	[tilespmem:s13+$0x0] =	vst v11  }
0x179: {  	v7 =	vld.idx.msk [tilespmem:v15+s17+$0x0], $0xffff;
	[tilespmem:s13+$0xFFFFFE80] =	vst v12  }
0x17a: {  	v8 =	vld.idx.msk [tilespmem:v13+s17+$0x0], $0xffff;
	[tilespmem:s13+$0xFFFFFE00] =	vst v14  }
0x17b: {  	v6 =	vld.idx.msk [tilespmem:v6+s17+$0x0], $0xffff;
	[tilespmem:s13+$0xFFFFFD00] =	vst v16  }
0x17c: {  	s3 =	sadd.s32 $0x400, s3;
	v9 =	vld.idx.msk [tilespmem:v10+s17+$0x0], $0xffff;
	[tilespmem:s13+$0xFFFFFD80] =	vst v2  }
0x17d: {  	v3 =	vld.idx.msk [tilespmem:v3+s17+$0x0], $0xffff;
	[tilespmem:s3+$0xFFFFFC80] =	vst v4  }
0x17e: {  	v2 =	vld.idx.msk [tilespmem:v5+s17+$0x0], $0xffff;
	[tilespmem:s3+$0xFFFFFF80] =	vst v7  }
0x17f: {  	v4 =	vld.idx.msk [tilespmem:v17+s17+$0x0], $0xffff;
	[tilespmem:s3+$0xFFFFFF00] =	vst v8  }
0x180: {  	[tilespmem:s3+$0xFFFFFE80] =	vst v6  }
0x181: {  	[tilespmem:s3+$0x0] =	vst v9  }
0x182: {  	[tilespmem:s3+$0xFFFFFD00] =	vst v3  }
0x183: {  	[tilespmem:s3+$0xFFFFFE00] =	vst v2  }
0x184: {  	[tilespmem:s3+$0xFFFFFD80] =	vst v4  }
0x185: {  	v2 =	vld [tilespmem:s2+$0x50];
	_ =	sdelay $0x4  }
0x186: {  	v2 =	vshll.u32 v2, $0x5  }
0x187: {  	v2 =	vand.u32 $0x60, v2  }
0x188: {  	s23 =	simm.s32 $0x7;
	v2 =	vor.u32 v1, v2  }
0x189: {  	s4 =	simm.s32 $0x0;
	v3 =	vor.u32 s23, v2  }
0x18a: {  	s25 =	simm.s32 $0x6;
	v4 =	vor.u32 s4, v2  }
0x18b: {  	s28 =	simm.s32 $0x5;
	v5 =	vor.u32 s25, v2  }
0x18c: {  	s7 =	simm.s32 $0x4;
	v6 =	vor.u32 s28, v2  }
0x18d: {  	s9 =	simm.s32 $0x3;
	v12 =	vor.u32 s7, v2  }
0x18e: {  	s10 =	simm.s32 $0x1;
	v14 =	vor.u32 s9, v2;
	v11 =	vld.idx.msk [tilespmem:v3+s17+$0x0], $0xffff  }
0x18f: {  	v16 =	vor.u32 s10, v2;
	v18 =	vld.idx.msk [tilespmem:v4+s17+$0x0], $0xffff  }
0x190: {  	s12 =	simm.s32 $0x2;
	v8 =	vld.idx.msk [tilespmem:v5+s17+$0x0], $0xffff  }
0x191: {  	s14 =	simm.s32 $0xF;
	s13 =	simm.s32 $0x8;
	s23 =	simm.s32 $0xD;
	v4 =	vor.u32 s12, v2;
	v7 =	vld.idx.msk [tilespmem:v6+s17+$0x0], $0xffff  }
0x192: {  	s7 =	simm.s32 $0xC;
	v9 =	vor.u32 s13, v2;
	s9 =	simm.s32 $0xE;
	v10 =	vor.u32 s14, v2;
	s28 =	simm.s32 $0xA;
	v13 =	vor.u32 s23, v2;
	v12 =	vld.idx.msk [tilespmem:v12+s17+$0x0], $0xffff  }
0x193: {  	s25 =	simm.s32 $0x9;
	s10 =	simm.s32 $0xB;
	v15 =	vor.u32 s9, v2;
	v17 =	vor.u32 s28, v2;
	v6 =	vor.u32 s7, v2;
	v14 =	vld.idx.msk [tilespmem:v14+s17+$0x0], $0xffff  }
0x194: {  	s3 =	smov.u32 s24;
	s14 =	simm.s32 $0x10;
	s13 =	smov.u32 s24;
	v3 =	vor.u32 s25, v2;
	v5 =	vor.u32 s10, v2;
	v16 =	vld.idx.msk [tilespmem:v16+s17+$0x0], $0xffff;
	[tilespmem:s24+$0xFFFFFC80] =	vst v18  }
.LBB2_14:
0x195: {  	p0 =	slt.u32 s14, $0x18  }
0x196: {  	v18 =	vld.idx.msk [tilespmem:v4+s17+$0x0], $0xffff;
	[tilespmem:s13+$0xFFFFFF80] =	vst v8;
	s3 =	sadd.s32 $0x400, s3;
	v4 =	vmov v17;
	s4 =	smov.u32 s14;
	s14 =	sadd.s32 $0x8, s14  }
0x197: {  	v19 =	vld.idx.msk [tilespmem:v10+s17+$0x0], $0xffff;
	[tilespmem:s13+$0xFFFFFF00] =	vst v7  }
0x198: {  	v20 =	vld.idx.msk [tilespmem:v9+s17+$0x0], $0xffff;
	[tilespmem:s13+$0xFFFFFE80] =	vst v12  }
0x199: {  	v8 =	vld.idx.msk [tilespmem:v15+s17+$0x0], $0xffff;
	[tilespmem:s13+$0x0] =	vst v11  }
.Ltmp5:
0x19a: {  	s7 =	sadd.s32 $0x7, s4;
	v7 =	vld.idx.msk [tilespmem:v13+s17+$0x0], $0xffff;
	[tilespmem:s13+$0xFFFFFE00] =	vst v14;
	(pc) =	sbr.rel @p0 .LBB2_14-.Ltmp5, $4  }
0x19b: {  	s9 =	sadd.s32 $0x4, s4;
	s10 =	sadd.s32 $0x5, s4;
	s23 =	sadd.s32 $0x6, s4;
	v9 =	vor.u32 s4, v2;
	v10 =	vor.u32 s7, v2;
	v12 =	vld.idx.msk [tilespmem:v6+s17+$0x0], $0xffff;
	[tilespmem:s13+$0xFFFFFD00] =	vst v16  }
0x19c: {  	s25 =	sadd.s32 $0x2, s4;
	s7 =	sadd.s32 $0x1, s4;
	s4 =	sadd.s32 $0x3, s4;
	v15 =	vor.u32 s23, v2;
	v13 =	vor.u32 s10, v2;
	v6 =	vor.u32 s9, v2;
	[tilespmem:s13+$0xFFFFFD80] =	vst v18  }
0x19d: {  	v17 =	vor.u32 s25, v2;
	v18 =	vor.u32 s7, v2;
	v11 =	vmovc v19;
	s13 =	smov.u32 s3;
	v14 =	vld.idx.msk [tilespmem:v5+s17+$0x0], $0xffff;
	v5 =	vor.u32 s4, v2  }
0x19e: {  	[tilespmem:s3+$0xFFFFFC80] =	vst v20;
	v16 =	vld.idx.msk [tilespmem:v3+s17+$0x0], $0xffff;
	v3 =	vmov v18  }
0x19f: {  	_ =	sdelay $0x2  }
0x1a0: {  	[tilespmem:s13+$0xFFFFFF80] =	vst v8  }
0x1a1: {  	v2 =	vld.idx.msk [tilespmem:v4+s17+$0x0], $0xffff;
	[tilespmem:s13+$0xFFFFFF00] =	vst v7  }
0x1a2: {  	v4 =	vld.idx.msk [tilespmem:v9+s17+$0x0], $0xffff;
	[tilespmem:s13+$0x0] =	vst v11  }
0x1a3: {  	v7 =	vld.idx.msk [tilespmem:v15+s17+$0x0], $0xffff;
	[tilespmem:s13+$0xFFFFFE80] =	vst v12  }
0x1a4: {  	v8 =	vld.idx.msk [tilespmem:v13+s17+$0x0], $0xffff;
	[tilespmem:s13+$0xFFFFFE00] =	vst v14  }
0x1a5: {  	v6 =	vld.idx.msk [tilespmem:v6+s17+$0x0], $0xffff;
	[tilespmem:s13+$0xFFFFFD00] =	vst v16  }
0x1a6: {  	s4 =	sadd.s32 $0x400, s3;
	v9 =	vld.idx.msk [tilespmem:v10+s17+$0x0], $0xffff;
	[tilespmem:s13+$0xFFFFFD80] =	vst v2  }
0x1a7: {  	v3 =	vld.idx.msk [tilespmem:v3+s17+$0x0], $0xffff;
	[tilespmem:s4+$0xFFFFFC80] =	vst v4  }
0x1a8: {  	v2 =	vld.idx.msk [tilespmem:v5+s17+$0x0], $0xffff;
	[tilespmem:s4+$0xFFFFFF80] =	vst v7  }
0x1a9: {  	v4 =	vld.idx.msk [tilespmem:v17+s17+$0x0], $0xffff;
	[tilespmem:s4+$0xFFFFFF00] =	vst v8  }
0x1aa: {  	[tilespmem:s4+$0xFFFFFE80] =	vst v6  }
0x1ab: {  	[tilespmem:s4+$0x0] =	vst v9  }
0x1ac: {  	s3 =	sadd.s32 $0x1, s11;
	p0 =	seq.s32 s11, $0x19;
	[tilespmem:s4+$0xFFFFFD00] =	vst v3  }
0x1ad: {  	s7 =	sshll.u32 @!p0 s3, $0x7;
	[tilespmem:s4+$0xFFFFFE00] =	vst v2  }
0x1ae: {  	s13 =	sand.u32 @!p0 $0x3FFFFF80, s7;
	[tilespmem:s4+$0xFFFFFD80] =	vst v4  }
0x1af: {  	v2 =	vld @!p0 [tilespmem:s13+$0x0];
	_ =	sdelay $0x3  }
0x1b0: {  	s11 =	smul.u32 @!p0 $0x61A8, s3  }
0x1b1: {  	v2 =	vshrl.u32 @!p0 v2, $0x2  }
0x1b2: {  	v2 =	vadd.s32 @!p0 s11, v2  }
0x1b3: {  	[tilespmem:$0x1800] =	vst @!p0 v2  }
0x1b4: {  	v2 =	vld @!p0 [tilespmem:s13+$0x10];
	_ =	sdelay $0x4  }
0x1b5: {  	v2 =	vshrl.u32 @!p0 v2, $0x2  }
0x1b6: {  	v2 =	vadd.s32 @!p0 s11, v2  }
0x1b7: {  	s9 =	simm.s32 @!p0 $0x1900;
	s7 =	simm.s32 @!p0 $0x1800;
	s4 =	simm.s32 @!p0 $0x20;
	[tilespmem:$0x1810] =	vst @!p0 v2  }
0x1b8: {  	[tilespmem:s9], [sflag:$0x1] =	stream.indirect.gather @!p0 [hbm4b:s6+s4], $0x80, s7, s4, $0xb8;
	[tilespmem:$0x1E100] =	vst v63  }
0x1b9: {  	_ =	swait.ge [sflag:s21], $0x1000  }
0x1ba: {  	[sflag:s21] =	ssyncset.done $0x0  }
0x1bb: {  	[sflag:s21] =	ssyncadd.s32 $0xFFFFF000  }
0x1bc: {  	v2 =	vld [tilespmem:s2+$0x60];
	_ =	sdelay $0x4  }
0x1bd: {  	v2 =	vshll.u32 v2, $0x5  }
0x1be: {  	v2 =	vand.u32 $0x60, v2  }
0x1bf: {  	s9 =	simm.s32 $0x7;
	v2 =	vor.u32 v0, v2  }
0x1c0: {  	s10 =	simm.s32 $0x0;
	v3 =	vor.u32 s9, v2  }
0x1c1: {  	s12 =	simm.s32 $0x6;
	v4 =	vor.u32 s10, v2  }
0x1c2: {  	s14 =	simm.s32 $0x5;
	v5 =	vor.u32 s12, v2  }
0x1c3: {  	s23 =	simm.s32 $0x4;
	v6 =	vor.u32 s14, v2  }
0x1c4: {  	s25 =	simm.s32 $0x3;
	v12 =	vor.u32 s23, v2  }
0x1c5: {  	s28 =	simm.s32 $0x1;
	v14 =	vor.u32 s25, v2;
	v11 =	vld.idx.msk [tilespmem:v3+s19+$0x0], $0xffff  }
0x1c6: {  	v16 =	vor.u32 s28, v2;
	v18 =	vld.idx.msk [tilespmem:v4+s19+$0x0], $0xffff  }
0x1c7: {  	s9 =	simm.s32 $0x2;
	v8 =	vld.idx.msk [tilespmem:v5+s19+$0x0], $0xffff  }
0x1c8: {  	s10 =	simm.s32 $0x8;
	s12 =	simm.s32 $0xF;
	s23 =	simm.s32 $0xD;
	v4 =	vor.u32 s9, v2;
	v7 =	vld.idx.msk [tilespmem:v6+s19+$0x0], $0xffff  }
0x1c9: {  	s14 =	simm.s32 $0xC;
	s28 =	simm.s32 $0xA;
	v9 =	vor.u32 s10, v2;
	s10 =	simm.s32 $0xE;
	v10 =	vor.u32 s12, v2;
	v13 =	vor.u32 s23, v2;
	v12 =	vld.idx.msk [tilespmem:v12+s19+$0x0], $0xffff  }
0x1ca: {  	s25 =	simm.s32 $0x9;
	v17 =	vor.u32 s28, v2;
	v15 =	vor.u32 s10, v2;
	v6 =	vor.u32 s14, v2;
	s14 =	simm.s32 $0xB;
	v14 =	vld.idx.msk [tilespmem:v14+s19+$0x0], $0xffff  }
0x1cb: {  	s23 =	simm.s32 $0x10;
	v3 =	vor.u32 s25, v2;
	v16 =	vld.idx.msk [tilespmem:v16+s19+$0x0], $0xffff;
	s25 =	smov.u32 s22;
	v5 =	vor.u32 s14, v2;
	s14 =	smov.u32 s22;
	[tilespmem:s22+$0xFFFFFC80] =	vst v18  }
.LBB2_16:
0x1cc: {  	p1 =	slt.u32 s23, $0x18  }
0x1cd: {  	v18 =	vld.idx.msk [tilespmem:v4+s19+$0x0], $0xffff;
	[tilespmem:s14+$0xFFFFFF80] =	vst v8;
	s25 =	sadd.s32 $0x400, s25;
	v4 =	vmov v17;
	s4 =	smov.u32 s23;
	s23 =	sadd.s32 $0x8, s23  }
0x1ce: {  	v19 =	vld.idx.msk [tilespmem:v10+s19+$0x0], $0xffff;
	[tilespmem:s14+$0xFFFFFF00] =	vst v7  }
0x1cf: {  	v20 =	vld.idx.msk [tilespmem:v9+s19+$0x0], $0xffff;
	[tilespmem:s14+$0xFFFFFE80] =	vst v12  }
0x1d0: {  	v8 =	vld.idx.msk [tilespmem:v15+s19+$0x0], $0xffff;
	[tilespmem:s14+$0x0] =	vst v11  }
.Ltmp6:
0x1d1: {  	s7 =	sadd.s32 $0x7, s4;
	v7 =	vld.idx.msk [tilespmem:v13+s19+$0x0], $0xffff;
	[tilespmem:s14+$0xFFFFFE00] =	vst v14;
	(pc) =	sbr.rel @p1 .LBB2_16-.Ltmp6, $4  }
0x1d2: {  	s9 =	sadd.s32 $0x4, s4;
	s10 =	sadd.s32 $0x5, s4;
	s12 =	sadd.s32 $0x6, s4;
	v9 =	vor.u32 s4, v2;
	v10 =	vor.u32 s7, v2;
	v12 =	vld.idx.msk [tilespmem:v6+s19+$0x0], $0xffff;
	[tilespmem:s14+$0xFFFFFD00] =	vst v16  }
0x1d3: {  	s28 =	sadd.s32 $0x2, s4;
	s7 =	sadd.s32 $0x1, s4;
	s4 =	sadd.s32 $0x3, s4;
	v15 =	vor.u32 s12, v2;
	v13 =	vor.u32 s10, v2;
	v6 =	vor.u32 s9, v2;
	[tilespmem:s14+$0xFFFFFD80] =	vst v18  }
0x1d4: {  	v17 =	vor.u32 s28, v2;
	v18 =	vor.u32 s7, v2;
	v11 =	vmovc v19;
	s14 =	smov.u32 s25;
	v14 =	vld.idx.msk [tilespmem:v5+s19+$0x0], $0xffff;
	v5 =	vor.u32 s4, v2  }
0x1d5: {  	[tilespmem:s25+$0xFFFFFC80] =	vst v20;
	v16 =	vld.idx.msk [tilespmem:v3+s19+$0x0], $0xffff;
	v3 =	vmov v18  }
0x1d6: {  	_ =	sdelay $0x2  }
0x1d7: {  	[tilespmem:s14+$0xFFFFFF80] =	vst v8  }
0x1d8: {  	v2 =	vld.idx.msk [tilespmem:v4+s19+$0x0], $0xffff;
	[tilespmem:s14+$0xFFFFFF00] =	vst v7  }
0x1d9: {  	v4 =	vld.idx.msk [tilespmem:v9+s19+$0x0], $0xffff;
	[tilespmem:s14+$0x0] =	vst v11  }
0x1da: {  	v7 =	vld.idx.msk [tilespmem:v15+s19+$0x0], $0xffff;
	[tilespmem:s14+$0xFFFFFE80] =	vst v12  }
0x1db: {  	v8 =	vld.idx.msk [tilespmem:v13+s19+$0x0], $0xffff;
	[tilespmem:s14+$0xFFFFFE00] =	vst v14  }
0x1dc: {  	v6 =	vld.idx.msk [tilespmem:v6+s19+$0x0], $0xffff;
	[tilespmem:s14+$0xFFFFFD00] =	vst v16  }
0x1dd: {  	s4 =	sadd.s32 $0x400, s25;
	v9 =	vld.idx.msk [tilespmem:v10+s19+$0x0], $0xffff;
	[tilespmem:s14+$0xFFFFFD80] =	vst v2  }
0x1de: {  	v3 =	vld.idx.msk [tilespmem:v3+s19+$0x0], $0xffff;
	[tilespmem:s4+$0xFFFFFC80] =	vst v4  }
0x1df: {  	v2 =	vld.idx.msk [tilespmem:v5+s19+$0x0], $0xffff;
	[tilespmem:s4+$0xFFFFFF80] =	vst v7  }
0x1e0: {  	v4 =	vld.idx.msk [tilespmem:v17+s19+$0x0], $0xffff;
	[tilespmem:s4+$0xFFFFFF00] =	vst v8  }
0x1e1: {  	[tilespmem:s4+$0xFFFFFE80] =	vst v6  }
0x1e2: {  	[tilespmem:s4+$0x0] =	vst v9  }
0x1e3: {  	[tilespmem:s4+$0xFFFFFD00] =	vst v3  }
0x1e4: {  	[tilespmem:s4+$0xFFFFFE00] =	vst v2  }
0x1e5: {  	[tilespmem:s4+$0xFFFFFD80] =	vst v4  }
0x1e6: {  	v2 =	vld [tilespmem:s2+$0x70];
	_ =	sdelay $0x4  }
0x1e7: {  	v2 =	vshll.u32 v2, $0x5  }
0x1e8: {  	v2 =	vand.u32 $0x60, v2  }
0x1e9: {  	s12 =	simm.s32 $0x7;
	v2 =	vor.u32 v1, v2  }
0x1ea: {  	s14 =	simm.s32 $0x0;
	v3 =	vor.u32 s12, v2  }
0x1eb: {  	s23 =	simm.s32 $0x6;
	v4 =	vor.u32 s14, v2  }
0x1ec: {  	s25 =	simm.s32 $0x5;
	v5 =	vor.u32 s23, v2  }
0x1ed: {  	s28 =	simm.s32 $0x4;
	v6 =	vor.u32 s25, v2  }
0x1ee: {  	s7 =	simm.s32 $0x3;
	v12 =	vor.u32 s28, v2  }
0x1ef: {  	s9 =	simm.s32 $0x1;
	v14 =	vor.u32 s7, v2;
	v11 =	vld.idx.msk [tilespmem:v3+s19+$0x0], $0xffff  }
0x1f0: {  	v16 =	vor.u32 s9, v2;
	v18 =	vld.idx.msk [tilespmem:v4+s19+$0x0], $0xffff  }
0x1f1: {  	s10 =	simm.s32 $0x2;
	v8 =	vld.idx.msk [tilespmem:v5+s19+$0x0], $0xffff  }
0x1f2: {  	s12 =	simm.s32 $0x8;
	s14 =	simm.s32 $0xF;
	s23 =	simm.s32 $0xD;
	v4 =	vor.u32 s10, v2;
	v7 =	vld.idx.msk [tilespmem:v6+s19+$0x0], $0xffff  }
0x1f3: {  	s7 =	simm.s32 $0xC;
	s9 =	simm.s32 $0xE;
	s28 =	simm.s32 $0xA;
	v9 =	vor.u32 s12, v2;
	v10 =	vor.u32 s14, v2;
	v13 =	vor.u32 s23, v2;
	v12 =	vld.idx.msk [tilespmem:v12+s19+$0x0], $0xffff  }
0x1f4: {  	s25 =	simm.s32 $0x9;
	v15 =	vor.u32 s9, v2;
	v17 =	vor.u32 s28, v2;
	v6 =	vor.u32 s7, v2;
	s10 =	simm.s32 $0xB;
	v14 =	vld.idx.msk [tilespmem:v14+s19+$0x0], $0xffff  }
0x1f5: {  	s2 =	smov.u32 s1;
	s23 =	simm.s32 $0x10;
	s14 =	smov.u32 s1;
	v3 =	vor.u32 s25, v2;
	v16 =	vld.idx.msk [tilespmem:v16+s19+$0x0], $0xffff;
	v5 =	vor.u32 s10, v2;
	[tilespmem:s1+$0xFFFFFC80] =	vst v18  }
.LBB2_18:
0x1f6: {  	p1 =	slt.u32 s23, $0x18  }
0x1f7: {  	v18 =	vld.idx.msk [tilespmem:v4+s19+$0x0], $0xffff;
	[tilespmem:s14+$0xFFFFFF80] =	vst v8;
	s2 =	sadd.s32 $0x400, s2;
	v4 =	vmov v17;
	s4 =	smov.u32 s23;
	s23 =	sadd.s32 $0x8, s23  }
0x1f8: {  	v19 =	vld.idx.msk [tilespmem:v10+s19+$0x0], $0xffff;
	[tilespmem:s14+$0xFFFFFF00] =	vst v7  }
0x1f9: {  	v20 =	vld.idx.msk [tilespmem:v9+s19+$0x0], $0xffff;
	[tilespmem:s14+$0xFFFFFE80] =	vst v12  }
0x1fa: {  	v8 =	vld.idx.msk [tilespmem:v15+s19+$0x0], $0xffff;
	[tilespmem:s14+$0x0] =	vst v11  }
.Ltmp7:
0x1fb: {  	s7 =	sadd.s32 $0x7, s4;
	v7 =	vld.idx.msk [tilespmem:v13+s19+$0x0], $0xffff;
	[tilespmem:s14+$0xFFFFFE00] =	vst v14;
	(pc) =	sbr.rel @p1 .LBB2_18-.Ltmp7, $4  }
0x1fc: {  	s9 =	sadd.s32 $0x4, s4;
	s10 =	sadd.s32 $0x5, s4;
	s12 =	sadd.s32 $0x6, s4;
	v9 =	vor.u32 s4, v2;
	v10 =	vor.u32 s7, v2;
	v12 =	vld.idx.msk [tilespmem:v6+s19+$0x0], $0xffff;
	[tilespmem:s14+$0xFFFFFD00] =	vst v16  }
0x1fd: {  	s25 =	sadd.s32 $0x2, s4;
	s7 =	sadd.s32 $0x1, s4;
	s4 =	sadd.s32 $0x3, s4;
	v15 =	vor.u32 s12, v2;
	v13 =	vor.u32 s10, v2;
	v6 =	vor.u32 s9, v2;
	[tilespmem:s14+$0xFFFFFD80] =	vst v18  }
0x1fe: {  	v17 =	vor.u32 s25, v2;
	v18 =	vor.u32 s7, v2;
	v11 =	vmovc v19;
	s14 =	smov.u32 s2;
	v14 =	vld.idx.msk [tilespmem:v5+s19+$0x0], $0xffff;
	v5 =	vor.u32 s4, v2  }
0x1ff: {  	[tilespmem:s2+$0xFFFFFC80] =	vst v20;
	v16 =	vld.idx.msk [tilespmem:v3+s19+$0x0], $0xffff;
	v3 =	vmov v18  }
0x200: {  	_ =	sdelay $0x2  }
0x201: {  	[tilespmem:s14+$0xFFFFFF80] =	vst v8  }
0x202: {  	v2 =	vld.idx.msk [tilespmem:v4+s19+$0x0], $0xffff;
	[tilespmem:s14+$0xFFFFFF00] =	vst v7  }
0x203: {  	v59 =	vld.idx.msk [tilespmem:v9+s19+$0x0], $0xffff;
	[tilespmem:s14+$0x0] =	vst v11  }
0x204: {  	v60 =	vld.idx.msk [tilespmem:v15+s19+$0x0], $0xffff;
	[tilespmem:s14+$0xFFFFFE80] =	vst v12  }
0x205: {  	v61 =	vld.idx.msk [tilespmem:v13+s19+$0x0], $0xffff;
	[tilespmem:s14+$0xFFFFFE00] =	vst v14  }
0x206: {  	v6 =	vld.idx.msk [tilespmem:v6+s19+$0x0], $0xffff;
	[tilespmem:s14+$0xFFFFFD00] =	vst v16  }
0x207: {  	s2 =	sadd.s32 $0x400, s2;
	v62 =	vld.idx.msk [tilespmem:v10+s19+$0x0], $0xffff;
	[tilespmem:s14+$0xFFFFFD80] =	vst v2  }
0x208: {  	v3 =	vld.idx.msk [tilespmem:v3+s19+$0x0], $0xffff;
	[tilespmem:s2+$0xFFFFFC80] =	vst v59  }
0x209: {  	v63 =	vld.idx.msk [tilespmem:v17+s19+$0x0], $0xffff;
	[tilespmem:s2+$0xFFFFFF80] =	vst v60  }
0x20a: {  	v2 =	vld.idx.msk [tilespmem:v5+s19+$0x0], $0xffff;
	[tilespmem:s2+$0xFFFFFF00] =	vst v61  }
0x20b: {  	[tilespmem:s2+$0xFFFFFE80] =	vst v6  }
0x20c: {  	[tilespmem:s2+$0x0] =	vst v62  }
0x20d: {  	[tilespmem:s2+$0xFFFFFD00] =	vst v3  }
0x20e: {  	[tilespmem:s2+$0xFFFFFD80] =	vst v63  }
0x20f: {  	[tilespmem:s2+$0xFFFFFE00] =	vst v2  }
0x210: {  	v2 =	vld @!p0 [tilespmem:s13+$0x20];
	_ =	sdelay $0x4  }
0x211: {  	v2 =	vshrl.u32 @!p0 v2, $0x2  }
0x212: {  	v2 =	vadd.s32 @!p0 s11, v2  }
0x213: {  	[tilespmem:$0x1880] =	vst @!p0 v2  }
0x214: {  	v2 =	vld @!p0 [tilespmem:s13+$0x30];
	_ =	sdelay $0x1  }
0x215: {  	p1 =	sne.s32 @!p0 s3, $0x1A  }
0x216: {  	s4 =	simm.s32 @!p0 $0x1880;
	p1 =	por p0, !p1  }
.Ltmp8:
0x217: {  	s7 =	simm.s32 @!p0 $0x2900;
	s30 =	sadd.s32 @!p0 $0x1000, s30;
	(pc) =	sbr.rel @!p1 .LBB2_3-.Ltmp8, $4  }
0x218: {  	s31 =	sadd.s32 @!p0 $0x1000, s31;
	s0 =	sadd.s32 @!p0 $0x1000, s0;
	s5 =	sadd.s32 @!p0 $0x1000, s5;
	v2 =	vshrl.u32 @!p0 v2, $0x2  }
0x219: {  	s8 =	sadd.s32 @!p0 $0x1000, s8;
	s24 =	sadd.s32 @!p0 $0x1000, s24;
	s22 =	sadd.s32 @!p0 $0x1000, s22;
	v2 =	vadd.s32 @!p0 s11, v2  }
0x21a: {  	s1 =	sadd.s32 @!p0 $0x1000, s1;
	s2 =	simm.s32 @!p0 $0x20;
	s11 =	smov.u32 s3;
	[tilespmem:$0x1890] =	vst @!p0 v2  }
0x21b: {  	[tilespmem:s7], [sflag:$0x2] =	stream.indirect.gather @!p0 [hbm4b:s6+s2], $0x80, s4, s2, $0xb8;
	[tilespmem:$0x1E100] =	vst v63  }
0x21c: {  	s26 =	sadd.s32 $0x1, s26  }
0x21d: {  	s0 =	rddreg [dreg:$0x3];
	p0 =	sne.s32 s26, $0x4  }
.Ltmp9:
0x21e: {  	s1 =	rddreg [dreg:$0x8];
	s2 =	simm.s32 $0x400;
	(pc) =	sbr.rel @p0 .LBB2_2-.Ltmp9, $4  }
0x21f: {  	s3 =	simm.s32 $0x20000;
	s30 =	simm.s32 $0x3900;
	s0 =	sadd.s32 s0, s1  }
0x220: {  	[hbm4b:s0+s2] =	stream.strided.scatter [tilespmem:s30], [sflag:$0x3], $0x1A400, s3, s2, $0x38;
	[tilespmem:$0x1E100] =	vst v63  }
0x221: {  	s4 =	simm.s32 $0x0;
	s31 =	simm.s32 $0x1DD00;
	s0 =	sadd.s32 $0x1A4000, s0  }
0x222: {  	[hbm4b:s0+s4] =	stream.linear.scatter [tilespmem:s31], [sflag:$0x3], $0x280, $0x38;
	[tilespmem:$0x1E100] =	vst v63  }
0x223: {  	s1 =	simm.s32 $0x3  }
0x224: {  	_ =	swait.ge [sflag:s1], $0x1A680  }
0x225: {  	s5 =	rddreg [dreg:$0x7]  }
0x226: {  	s0 =	rddreg [dreg:$0x6];
	s5 =	sadd.s32 $0x1, s5  }
0x227: {  	p0 =	sne.s32 s5, s0  }
.Ltmp10:
0x228: {  	_ = 	snop;
	(pc) =	sbr.rel @p0 .LBB2_1-.Ltmp10, $3  }
0x229: {  	_ =	sdelay $0x1  }
0x22a: {  	[sflag:s1] =	ssyncset.done $0x0  }
0x22b: {  	[sflag:s1] =	ssyncadd.s32 $0xFFFE5980  }
0x22c: {  	_ =	sfence.sel $0x180000  }
0x22d: {  	[bflag:$0x0] =	sbarrier.arrive $0xFFFF  }
0x22e: {  	_ =	strace $0x90000047  }
0x22f: {  	s0 =	stileid.u32;
	[bflag:$0x2] =	sbarrier.arrive $0xFFFF  }
0x230: {  	p0 =	sne.s32 s0, $0x0;
	s0 =	rddreg [dreg:$0x4]  }
0x231: {  	s0 =	sadd.s32 @!p0 $0x100000, s0  }
0x232: {  	[sflag:s0] =	ssyncadd.tile.s32 @!p0 $0x1;
	_ =	shalt  }
.Lfunc_end2:
_tile_overlayer_lowered:
.L_overlay_start_2:
0x233: {  	(tag) =	ssettag $0x2  }
0x234: {  	s0 =	rddreg [dreg:$0x0];
	s2 =	stileid.u32  }
0x235: {  	s1 =	rddreg [dreg:$0x1];
	p0 =	sne.s32 s2, $0x0  }
0x236: {  	s3 =	rddreg [dreg:$0x2];
	[bflag:$0x3] =	sbarrier.arrive $0xFFFF;
	s2 =	simm.s32 @!p0 $0x1C04  }
0x237: {  	[timem:s3], [sflag:s2] =	dma.local @!p0 [hbm:s0], s1  }
0x238: {  	s0 =	simm.s32 @!p0 $0x4  }
0x239: {  	_ =	swait.ge @!p0 [sflag:s0], s1  }
0x23a: {  	s1 =	ssub.s32 @!p0 $0x0, s1;
	[sflag:s0] =	ssyncset.done @!p0 $0x0  }
0x23b: {  	[sflag:s0] =	ssyncadd.s32 @!p0 s1  }
0x23c: {  	[bflag:$0x3] =	sbarrier.arrive $0xFFFF  }
0x23d: {  	_ =	shalt  }

</sc_bundles>
